<compile_context>
chip_gen: v7x
topology: tpu7x:2x2x1
jax: 0.10.2.dev20260603
libtpu: 0.0.44.dev20260713+nightly
codegen_flags: <defaults>
</compile_context>

<pallas_src>
import functools

import jax
import jax.numpy as jnp
from jax import lax
from jax.experimental import pallas as pl
from jax.experimental.pallas import tpu as pltpu
from jax.experimental.pallas import tpu_sc as plsc

B, T, H = 1024, 50, 64
N = B * T
NC, NS = 2, 16
NW = NC * NS
RPW = N // NW
NQ = 4
QR = RPW // NQ
CH = 80
NCH = QR // CH
HP = 2 * H
LANES = 16

_mesh = plsc.VectorSubcoreMesh(core_axis_name="c", subcore_axis_name="s",
                               num_cores=NC, num_subcores=NS)


@functools.partial(
    pl.kernel,
    out_type=(
        jax.ShapeDtypeStruct((N, H), jnp.float32),
        jax.ShapeDtypeStruct((N,), jnp.float32),
    ),
    mesh=_mesh,
    compiler_params=pltpu.CompilerParams(use_tc_tiling_on_sc=False,
                                         needs_layout_passes=False),
    scratch_types=[
        pltpu.VMEM((RPW,), jnp.int32),
        pltpu.VMEM((RPW,), jnp.int32),
        pltpu.VMEM((B,), jnp.int32),
        pltpu.VMEM((RPW,), jnp.float32),
        pltpu.VMEM((QR, HP), jnp.float32),
        pltpu.VMEM((QR, HP), jnp.float32),
        pltpu.VMEM((160, H), jnp.float32),
        pltpu.SemaphoreType.DMA,
        pltpu.SemaphoreType.DMA,
    ],
)
def _encode(x_hbm, cidx_hbm, xlen_hbm, emb_hbm, ctab_hbm,
            out_hbm, mask_hbm,
            idx_v, cidx_v, xlen_v, mask_v, erows_v, erows_v2, ctab_v, sem, sem2):
    wid = lax.axis_index("s") * NC + lax.axis_index("c")
    base = wid * RPW

    pltpu.sync_copy(x_hbm.at[pl.ds(base, RPW)], idx_v)
    waits = []
    for j in range(NCH):
        waits.append(pltpu.async_copy(
            emb_hbm.at[idx_v.at[pl.ds(j * CH, CH)]],
            erows_v.at[pl.ds(j * CH, CH)], sem))
    pltpu.sync_copy(cidx_hbm.at[pl.ds(base, RPW)], cidx_v)
    pltpu.sync_copy(xlen_hbm, xlen_v)
    pltpu.sync_copy(ctab_hbm, ctab_v)

    t_vec = jnp.full((LANES,), T, jnp.int32)
    ones = jnp.full((LANES,), 1.0, jnp.float32)
    zeros = jnp.full((LANES,), 0.0, jnp.float32)

    @plsc.parallel_loop(0, RPW // LANES, step=1, unroll=8)
    def mask_body(i):
        n = lax.iota(jnp.int32, LANES) + (base + i * LANES)
        b = lax.div(n, t_vec)
        t = n - b * T
        lens = plsc.load_gather(xlen_v, [b])
        mask_v[pl.ds(i * LANES, LANES)] = jnp.where(t < lens, ones, zeros)

    bufs = (erows_v, erows_v2)
    for q in range(NQ):
        qbase = q * QR
        for w in waits:
            w.wait()
        waits = []
        if q + 1 < NQ:
            nxt = bufs[(q + 1) % 2]
            for j in range(NCH):
                waits.append(pltpu.async_copy(
                    emb_hbm.at[idx_v.at[pl.ds(qbase + QR + j * CH, CH)]],
                    nxt.at[pl.ds(j * CH, CH)], sem))

        buf = bufs[q % 2]

        @plsc.parallel_loop(0, QR, step=1, unroll=4)
        def row_body(r):
            rb = jnp.full((LANES,), qbase, jnp.int32) + r
            m16 = plsc.load_gather(mask_v, [rb])
            cvec = plsc.load_gather(cidx_v, [rb])
            for c in range(H // LANES):
                sl = pl.ds(c * LANES, LANES)
                col = lax.iota(jnp.int32, LANES) + (c * LANES)
                cval = plsc.load_gather(ctab_v, [cvec, col])
                buf[r, sl] = (buf[r, sl] + cval) * m16

        pltpu.sync_copy(buf.at[:, pl.ds(0, H)],
                        out_hbm.at[pl.ds(base + qbase, QR)])

    pltpu.sync_copy(mask_v, mask_hbm.at[pl.ds(base, RPW)])


def kernel(x, x_lengths, tone, language, ja_bert, noise_scale, emb_w,
           tone_w, lang_w):
    del ja_bert
    x_f = x.reshape(N).astype(jnp.int32)
    cidx = (tone.astype(jnp.int32) * 10 + language.astype(jnp.int32)).reshape(N)
    xlen = x_lengths.astype(jnp.int32)
    ctab = (tone_w.astype(jnp.float32)[:, None, :]
            + lang_w.astype(jnp.float32)[None, :, :]).reshape(160, H)

    embp = jnp.pad(emb_w, ((0, 0), (0, H)))
    out_flat, mask_flat = _encode(x_f, cidx, xlen, embp, ctab)

    out = out_flat.reshape(B, T, H)
    x_mask = mask_flat.reshape(B, 1, T)
    z = jax.random.normal(jax.random.key(1234), (B, 2, T),
                          jnp.float32) * noise_scale
    z0, z1 = z[:, 0:1, :], z[:, 1:2, :]
    return (out, x_mask, z0, z1)

# --- scband reference (transcript-rebuilt; emitter-appended) ---
"""Pipeline reference for scband-mobilint-text-encoder-and-duration-predictor-55113020342305 (READ-ONLY COPY).

The authoritative reference and input builder live on the scoring server;
editing this copy changes nothing except your own understanding.
"""

import jax, jax.numpy as jnp
import numpy as np

B, T, H = 1024, 50, 64
N_VOCAB, N_TONES, N_LANGS = 1000000, 16, 10


def sequence_mask(length, max_length):
    return jnp.arange(max_length)[None, :] < length[:, None]


def setup_inputs(seed: int = 0) -> dict:
    key = jax.random.key(seed)
    ks = jax.random.split(key, 8)
    x = jax.random.randint(ks[0], (B, T), 0, N_VOCAB)
    x_lengths = jax.random.randint(ks[1], (B,), 1, T + 1)
    tone = jax.random.randint(ks[2], (B, T), 0, N_TONES)
    language = jax.random.randint(ks[3], (B, T), 0, N_LANGS)
    ja_bert = jax.random.normal(ks[4], (B, 768, T), jnp.float32)
    emb_w = jax.random.normal(ks[5], (N_VOCAB, H), jnp.float32) * H ** (-0.5)
    tone_w = jax.random.normal(ks[6], (N_TONES, H), jnp.float32) * H ** (-0.5)
    lang_w = jax.random.normal(ks[7], (N_LANGS, H), jnp.float32) * H ** (-0.5)
    return {"x": x, "x_lengths": x_lengths, "tone": tone, "language": language,
            "ja_bert": ja_bert, "noise_scale": 1,
            "emb_w": emb_w, "tone_w": tone_w, "lang_w": lang_w}


def reference(x, x_lengths, tone, language, ja_bert, noise_scale, emb_w, tone_w, lang_w):
    # x = emb(x) + tone_emb(tone) + language_emb(language)
    h = jnp.take(emb_w, x, axis=0) + jnp.take(tone_w, tone, axis=0) + jnp.take(lang_w, language, axis=0)
    # x_mask = sequence_mask(x_lengths, x.shape[1]).unsqueeze(1)
    x_mask = sequence_mask(x_lengths, h.shape[1])[:, None, :].astype(h.dtype)
    # z = randn(B, 2, T) * noise_scale (fixed key stands in for torch.randn)
    z = jax.random.normal(jax.random.key(1234), (h.shape[0], 2, h.shape[1]), h.dtype) * noise_scale
    z0, z1 = z[:, 0:1, :], z[:, 1:2, :]
    # The maccel mxq hardware model call is not reproducible; the SparseCore-relevant
    # computation is the embedding gathers + mask, returned (masked) here.
    out = h * jnp.transpose(x_mask, (0, 2, 1))
    return (out, x_mask, z0, z1)

if __name__ == "__main__":
    import jax
    _d = setup_inputs()
    print(jax.jit(kernel)(*tuple(_d.values())))

</pallas_src>

<mosaic_0001>
#map = affine_map<(d0, d1) -> (0)>
#map1 = affine_map<(d0, d1) -> (0, 0)>
module attributes {stable_mosaic.version = 14 : i64} {
  func.func @_encode(%arg0: i32, %arg1: i32, %arg2: memref<51200xi32, #tpu.memory_space<hbm>>, %arg3: memref<51200xi32, #tpu.memory_space<hbm>>, %arg4: memref<1024xi32, #tpu.memory_space<hbm>>, %arg5: memref<1000000x128xf32, #tpu.memory_space<hbm>>, %arg6: memref<160x64xf32, #tpu.memory_space<hbm>>, %arg7: memref<51200x64xf32, #tpu.memory_space<hbm>>, %arg8: memref<51200xf32, #tpu.memory_space<hbm>>, %arg9: memref<1600xi32, #tpu.memory_space<vmem>>, %arg10: memref<1600xi32, #tpu.memory_space<vmem>>, %arg11: memref<1024xi32, #tpu.memory_space<vmem>>, %arg12: memref<1600xf32, #tpu.memory_space<vmem>>, %arg13: memref<400x128xf32, #tpu.memory_space<vmem>>, %arg14: memref<400x128xf32, #tpu.memory_space<vmem>>, %arg15: memref<160x64xf32, #tpu.memory_space<vmem>>, %arg16: memref<!tpu.dma_semaphore, #tpu.memory_space<semaphore_mem>>, %arg17: memref<!tpu.dma_semaphore, #tpu.memory_space<semaphore_mem>>) attributes {dimension_semantics = [#tpu.dimension_semantics<core_parallel>, #tpu.dimension_semantics<subcore_parallel>], iteration_bounds = array<i64: 2, 16>, scalar_prefetch = 0 : i64, scratch_operands = 9 : i64, tpu.core_type = #tpu.core_type<sc_vector_subcore>, window_params = [{transform_indices = #map}, {transform_indices = #map}, {transform_indices = #map}, {transform_indices = #map1}, {transform_indices = #map1}, {transform_indices = #map1}, {transform_indices = #map}]} {
    %mul3A = arith.constant 2 : i32
    %mul3A_0 = arith.muli %arg1, %mul3A : i32
    %add3A = arith.addi %mul3A_0, %arg0 : i32
    %mul3A_1 = arith.constant 1600 : i32
    %mul3A_2 = arith.muli %add3A, %mul3A_1 : i32
    "tpu.region"() ({
      %run_scoped3A = tpu.sem_alloc : memref<!tpu.dma_semaphore, #tpu.memory_space<semaphore_mem>>
      %dma_start3A_348 = tpu.memref_slice %arg2[%mul3A_2] : memref<51200xi32, #tpu.memory_space<hbm>> -> memref<1600xi32, #tpu.memory_space<hbm>>
      %dma_start3A_349 = tpu.memref_slice %arg2[%mul3A_2] : memref<51200xi32, #tpu.memory_space<hbm>> -> memref<1600xi32, #tpu.memory_space<hbm>>
      tpu.enqueue_dma source(%dma_start3A_349 : memref<1600xi32, #tpu.memory_space<hbm>>) target(%arg9 : memref<1600xi32, #tpu.memory_space<vmem>>) target_semaphore(%run_scoped3A : memref<!tpu.dma_semaphore, #tpu.memory_space<semaphore_mem>>)
      %dma_wait3A_350 = tpu.memref_slice %arg2[%mul3A_2] : memref<51200xi32, #tpu.memory_space<hbm>> -> memref<1600xi32, #tpu.memory_space<hbm>>
      %dma_wait3A_351 = tpu.memref_slice %arg2[%mul3A_2] : memref<51200xi32, #tpu.memory_space<hbm>> -> memref<1600xi32, #tpu.memory_space<hbm>>
      tpu.wait_dma2 semaphore(%run_scoped3A : memref<!tpu.dma_semaphore, #tpu.memory_space<semaphore_mem>>) src(%dma_wait3A_351 : memref<1600xi32, #tpu.memory_space<hbm>>) dst(%arg9 : memref<1600xi32, #tpu.memory_space<vmem>>)
      tpu.yield
    }) : () -> ()
    %dma_start3A = arith.constant 0 : i32
    %dma_start3A_3 = arith.constant 0 : i32
    %dma_start3A_4 = tpu.memref_slice %arg13[%dma_start3A, %dma_start3A_3] : memref<400x128xf32, #tpu.memory_space<vmem>> -> memref<80x128xf32, #tpu.memory_space<vmem>>
    %dma_start3A_5 = arith.constant 0 : i32
    %dma_start3A_6 = tpu.memref_slice %arg9[%dma_start3A_5] : memref<1600xi32, #tpu.memory_space<vmem>> -> memref<80xi32, #tpu.memory_space<vmem>>
    %dma_start3A_7 = arith.constant 0 : i32
    %dma_start3A_8 = arith.constant 0 : i32
    %dma_start3A_9 = tpu.memref_slice %arg5[%dma_start3A_7, %dma_start3A_8] : memref<1000000x128xf32, #tpu.memory_space<hbm>> -> memref<1000000x128xf32, #tpu.memory_space<hbm>>
    tpu.enqueue_indirect_dma source(%dma_start3A_9 : memref<1000000x128xf32, #tpu.memory_space<hbm>>) target(%dma_start3A_4 : memref<80x128xf32, #tpu.memory_space<vmem>>) offsets(%dma_start3A_6 : memref<80xi32, #tpu.memory_space<vmem>>) semaphore(%arg16 : memref<!tpu.dma_semaphore, #tpu.memory_space<semaphore_mem>>)
    %dma_start3A_10 = arith.constant 80 : i32
    %dma_start3A_11 = arith.constant 0 : i32
    %dma_start3A_12 = tpu.memref_slice %arg13[%dma_start3A_10, %dma_start3A_11] : memref<400x128xf32, #tpu.memory_space<vmem>> -> memref<80x128xf32, #tpu.memory_space<vmem>>
    %dma_start3A_13 = arith.constant 80 : i32
    %dma_start3A_14 = tpu.memref_slice %arg9[%dma_start3A_13] : memref<1600xi32, #tpu.memory_space<vmem>> -> memref<80xi32, #tpu.memory_space<vmem>>
    %dma_start3A_15 = arith.constant 0 : i32
    %dma_start3A_16 = arith.constant 0 : i32
    %dma_start3A_17 = tpu.memref_slice %arg5[%dma_start3A_15, %dma_start3A_16] : memref<1000000x128xf32, #tpu.memory_space<hbm>> -> memref<1000000x128xf32, #tpu.memory_space<hbm>>
    tpu.enqueue_indirect_dma source(%dma_start3A_17 : memref<1000000x128xf32, #tpu.memory_space<hbm>>) target(%dma_start3A_12 : memref<80x128xf32, #tpu.memory_space<vmem>>) offsets(%dma_start3A_14 : memref<80xi32, #tpu.memory_space<vmem>>) semaphore(%arg16 : memref<!tpu.dma_semaphore, #tpu.memory_space<semaphore_mem>>)
    %dma_start3A_18 = arith.constant 160 : i32
    %dma_start3A_19 = arith.constant 0 : i32
    %dma_start3A_20 = tpu.memref_slice %arg13[%dma_start3A_18, %dma_start3A_19] : memref<400x128xf32, #tpu.memory_space<vmem>> -> memref<80x128xf32, #tpu.memory_space<vmem>>
    %dma_start3A_21 = arith.constant 160 : i32
    %dma_start3A_22 = tpu.memref_slice %arg9[%dma_start3A_21] : memref<1600xi32, #tpu.memory_space<vmem>> -> memref<80xi32, #tpu.memory_space<vmem>>
    %dma_start3A_23 = arith.constant 0 : i32
    %dma_start3A_24 = arith.constant 0 : i32
    %dma_start3A_25 = tpu.memref_slice %arg5[%dma_start3A_23, %dma_start3A_24] : memref<1000000x128xf32, #tpu.memory_space<hbm>> -> memref<1000000x128xf32, #tpu.memory_space<hbm>>
    tpu.enqueue_indirect_dma source(%dma_start3A_25 : memref<1000000x128xf32, #tpu.memory_space<hbm>>) target(%dma_start3A_20 : memref<80x128xf32, #tpu.memory_space<vmem>>) offsets(%dma_start3A_22 : memref<80xi32, #tpu.memory_space<vmem>>) semaphore(%arg16 : memref<!tpu.dma_semaphore, #tpu.memory_space<semaphore_mem>>)
    %dma_start3A_26 = arith.constant 240 : i32
    %dma_start3A_27 = arith.constant 0 : i32
    %dma_start3A_28 = tpu.memref_slice %arg13[%dma_start3A_26, %dma_start3A_27] : memref<400x128xf32, #tpu.memory_space<vmem>> -> memref<80x128xf32, #tpu.memory_space<vmem>>
    %dma_start3A_29 = arith.constant 240 : i32
    %dma_start3A_30 = tpu.memref_slice %arg9[%dma_start3A_29] : memref<1600xi32, #tpu.memory_space<vmem>> -> memref<80xi32, #tpu.memory_space<vmem>>
    %dma_start3A_31 = arith.constant 0 : i32
    %dma_start3A_32 = arith.constant 0 : i32
    %dma_start3A_33 = tpu.memref_slice %arg5[%dma_start3A_31, %dma_start3A_32] : memref<1000000x128xf32, #tpu.memory_space<hbm>> -> memref<1000000x128xf32, #tpu.memory_space<hbm>>
    tpu.enqueue_indirect_dma source(%dma_start3A_33 : memref<1000000x128xf32, #tpu.memory_space<hbm>>) target(%dma_start3A_28 : memref<80x128xf32, #tpu.memory_space<vmem>>) offsets(%dma_start3A_30 : memref<80xi32, #tpu.memory_space<vmem>>) semaphore(%arg16 : memref<!tpu.dma_semaphore, #tpu.memory_space<semaphore_mem>>)
    %dma_start3A_34 = arith.constant 320 : i32
    %dma_start3A_35 = arith.constant 0 : i32
    %dma_start3A_36 = tpu.memref_slice %arg13[%dma_start3A_34, %dma_start3A_35] : memref<400x128xf32, #tpu.memory_space<vmem>> -> memref<80x128xf32, #tpu.memory_space<vmem>>
    %dma_start3A_37 = arith.constant 320 : i32
    %dma_start3A_38 = tpu.memref_slice %arg9[%dma_start3A_37] : memref<1600xi32, #tpu.memory_space<vmem>> -> memref<80xi32, #tpu.memory_space<vmem>>
    %dma_start3A_39 = arith.constant 0 : i32
    %dma_start3A_40 = arith.constant 0 : i32
    %dma_start3A_41 = tpu.memref_slice %arg5[%dma_start3A_39, %dma_start3A_40] : memref<1000000x128xf32, #tpu.memory_space<hbm>> -> memref<1000000x128xf32, #tpu.memory_space<hbm>>
    tpu.enqueue_indirect_dma source(%dma_start3A_41 : memref<1000000x128xf32, #tpu.memory_space<hbm>>) target(%dma_start3A_36 : memref<80x128xf32, #tpu.memory_space<vmem>>) offsets(%dma_start3A_38 : memref<80xi32, #tpu.memory_space<vmem>>) semaphore(%arg16 : memref<!tpu.dma_semaphore, #tpu.memory_space<semaphore_mem>>)
    "tpu.region"() ({
      %run_scoped3A = tpu.sem_alloc : memref<!tpu.dma_semaphore, #tpu.memory_space<semaphore_mem>>
      %dma_start3A_348 = tpu.memref_slice %arg3[%mul3A_2] : memref<51200xi32, #tpu.memory_space<hbm>> -> memref<1600xi32, #tpu.memory_space<hbm>>
      %dma_start3A_349 = tpu.memref_slice %arg3[%mul3A_2] : memref<51200xi32, #tpu.memory_space<hbm>> -> memref<1600xi32, #tpu.memory_space<hbm>>
      tpu.enqueue_dma source(%dma_start3A_349 : memref<1600xi32, #tpu.memory_space<hbm>>) target(%arg10 : memref<1600xi32, #tpu.memory_space<vmem>>) target_semaphore(%run_scoped3A : memref<!tpu.dma_semaphore, #tpu.memory_space<semaphore_mem>>)
      %dma_wait3A_350 = tpu.memref_slice %arg3[%mul3A_2] : memref<51200xi32, #tpu.memory_space<hbm>> -> memref<1600xi32, #tpu.memory_space<hbm>>
      %dma_wait3A_351 = tpu.memref_slice %arg3[%mul3A_2] : memref<51200xi32, #tpu.memory_space<hbm>> -> memref<1600xi32, #tpu.memory_space<hbm>>
      tpu.wait_dma2 semaphore(%run_scoped3A : memref<!tpu.dma_semaphore, #tpu.memory_space<semaphore_mem>>) src(%dma_wait3A_351 : memref<1600xi32, #tpu.memory_space<hbm>>) dst(%arg10 : memref<1600xi32, #tpu.memory_space<vmem>>)
      tpu.yield
    }) : () -> ()
    "tpu.region"() ({
      %run_scoped3A = tpu.sem_alloc : memref<!tpu.dma_semaphore, #tpu.memory_space<semaphore_mem>>
      tpu.enqueue_dma source(%arg4 : memref<1024xi32, #tpu.memory_space<hbm>>) target(%arg11 : memref<1024xi32, #tpu.memory_space<vmem>>) target_semaphore(%run_scoped3A : memref<!tpu.dma_semaphore, #tpu.memory_space<semaphore_mem>>)
      tpu.wait_dma2 semaphore(%run_scoped3A : memref<!tpu.dma_semaphore, #tpu.memory_space<semaphore_mem>>) src(%arg4 : memref<1024xi32, #tpu.memory_space<hbm>>) dst(%arg11 : memref<1024xi32, #tpu.memory_space<vmem>>)
      tpu.yield
    }) : () -> ()
    "tpu.region"() ({
      %run_scoped3A = tpu.sem_alloc : memref<!tpu.dma_semaphore, #tpu.memory_space<semaphore_mem>>
      tpu.enqueue_dma source(%arg6 : memref<160x64xf32, #tpu.memory_space<hbm>>) target(%arg15 : memref<160x64xf32, #tpu.memory_space<vmem>>) target_semaphore(%run_scoped3A : memref<!tpu.dma_semaphore, #tpu.memory_space<semaphore_mem>>)
      tpu.wait_dma2 semaphore(%run_scoped3A : memref<!tpu.dma_semaphore, #tpu.memory_space<semaphore_mem>>) src(%arg6 : memref<160x64xf32, #tpu.memory_space<hbm>>) dst(%arg15 : memref<160x64xf32, #tpu.memory_space<vmem>>)
      tpu.yield
    }) : () -> ()
    %broadcast_in_dim3A = arith.constant 50 : i32
    %broadcast_in_dim3A_42 = vector.broadcast %broadcast_in_dim3A : i32 to vector<16xi32>
    %broadcast_in_dim3A_43 = arith.constant 1.000000e+00 : f32
    %broadcast_in_dim3A_44 = vector.broadcast %broadcast_in_dim3A_43 : f32 to vector<16xf32>
    %broadcast_in_dim3A_45 = arith.constant 0.000000e+00 : f32
    %broadcast_in_dim3A_46 = vector.broadcast %broadcast_in_dim3A_45 : f32 to vector<16xf32>
    %parallel_loop3A = arith.constant 0 : i32
    %parallel_loop3A_47 = arith.constant 100 : i32
    %parallel_loop3A_48 = arith.constant 1 : i32
    scf.for %parallel_loop3A_348 = %parallel_loop3A to %parallel_loop3A_47 step %parallel_loop3A_48  : i32 {
      %parallel_loop3A_349 = tpu.iota {dimensions = array<i32: 0>} : vector<16xi32>
      %parallel_loop3A_350 = arith.constant 16 : i32
      %parallel_loop3A_351 = arith.muli %parallel_loop3A_348, %parallel_loop3A_350 : i32
      %parallel_loop3A_352 = arith.addi %mul3A_2, %parallel_loop3A_351 : i32
      %parallel_loop3A_353 = vector.broadcast %parallel_loop3A_352 : i32 to vector<16xi32>
      %parallel_loop3A_354 = arith.addi %parallel_loop3A_349, %parallel_loop3A_353 : vector<16xi32>
      %parallel_loop3A_355 = arith.divsi %parallel_loop3A_354, %broadcast_in_dim3A_42 : vector<16xi32>
      %parallel_loop3A_356 = arith.constant 50 : i32
      %parallel_loop3A_357 = vector.broadcast %parallel_loop3A_356 : i32 to vector<16xi32>
      %parallel_loop3A_358 = arith.muli %parallel_loop3A_355, %parallel_loop3A_357 : vector<16xi32>
      %parallel_loop3A_359 = arith.subi %parallel_loop3A_354, %parallel_loop3A_358 : vector<16xi32>
      %parallel_loop3A_360 = tpu.vector_load_idx %arg11[%parallel_loop3A_355] : memref<1024xi32, #tpu.memory_space<vmem>>[vector<16xi32>], vector<16xi32>,
      %parallel_loop3A_361 = arith.cmpi slt, %parallel_loop3A_359, %parallel_loop3A_360 : vector<16xi32>
      %parallel_loop3A_362 = arith.select %parallel_loop3A_361, %broadcast_in_dim3A_44, %broadcast_in_dim3A_46 : vector<16xi1>, vector<16xf32>
      %parallel_loop3A_363 = arith.constant 16 : i32
      %parallel_loop3A_364 = arith.muli %parallel_loop3A_348, %parallel_loop3A_363 : i32
      %parallel_loop3A_365 = arith.index_cast %parallel_loop3A_364 : i32 to index
      %parallel_loop3A_366 = tpu.vector_load %arg12[%parallel_loop3A_365] {strides = array<i32>} : memref<1600xf32, #tpu.memory_space<vmem>>, vector<16xf32>,
      tpu.vector_store %arg12[%parallel_loop3A_365], %parallel_loop3A_362 {strides = array<i32>} : memref<1600xf32, #tpu.memory_space<vmem>>, vector<16xf32>,
    } {sc.loop_unroll_factor = 8 : i64, sc.parallel_access}
    %dma_wait3A = arith.constant 0 : i32
    %dma_wait3A_49 = arith.constant 0 : i32
    %dma_wait3A_50 = tpu.memref_slice %arg13[%dma_wait3A, %dma_wait3A_49] : memref<400x128xf32, #tpu.memory_space<vmem>> -> memref<80x128xf32, #tpu.memory_space<vmem>>
    %dma_wait3A_51 = arith.constant 0 : i32
    %dma_wait3A_52 = tpu.memref_slice %arg9[%dma_wait3A_51] : memref<1600xi32, #tpu.memory_space<vmem>> -> memref<80xi32, #tpu.memory_space<vmem>>
    %dma_wait3A_53 = arith.constant 0 : i32
    %dma_wait3A_54 = arith.constant 0 : i32
    %dma_wait3A_55 = tpu.memref_slice %arg5[%dma_wait3A_53, %dma_wait3A_54] : memref<1000000x128xf32, #tpu.memory_space<hbm>> -> memref<1000000x128xf32, #tpu.memory_space<hbm>>
    tpu.wait_indirect_dma semaphore(%arg16 : memref<!tpu.dma_semaphore, #tpu.memory_space<semaphore_mem>>) src(%dma_wait3A_55 : memref<1000000x128xf32, #tpu.memory_space<hbm>>) dst(%dma_wait3A_50 : memref<80x128xf32, #tpu.memory_space<vmem>>)
    %dma_wait3A_56 = arith.constant 80 : i32
    %dma_wait3A_57 = arith.constant 0 : i32
    %dma_wait3A_58 = tpu.memref_slice %arg13[%dma_wait3A_56, %dma_wait3A_57] : memref<400x128xf32, #tpu.memory_space<vmem>> -> memref<80x128xf32, #tpu.memory_space<vmem>>
    %dma_wait3A_59 = arith.constant 80 : i32
    %dma_wait3A_60 = tpu.memref_slice %arg9[%dma_wait3A_59] : memref<1600xi32, #tpu.memory_space<vmem>> -> memref<80xi32, #tpu.memory_space<vmem>>
    %dma_wait3A_61 = arith.constant 0 : i32
    %dma_wait3A_62 = arith.constant 0 : i32
    %dma_wait3A_63 = tpu.memref_slice %arg5[%dma_wait3A_61, %dma_wait3A_62] : memref<1000000x128xf32, #tpu.memory_space<hbm>> -> memref<1000000x128xf32, #tpu.memory_space<hbm>>
    tpu.wait_indirect_dma semaphore(%arg16 : memref<!tpu.dma_semaphore, #tpu.memory_space<semaphore_mem>>) src(%dma_wait3A_63 : memref<1000000x128xf32, #tpu.memory_space<hbm>>) dst(%dma_wait3A_58 : memref<80x128xf32, #tpu.memory_space<vmem>>)
    %dma_wait3A_64 = arith.constant 160 : i32
    %dma_wait3A_65 = arith.constant 0 : i32
    %dma_wait3A_66 = tpu.memref_slice %arg13[%dma_wait3A_64, %dma_wait3A_65] : memref<400x128xf32, #tpu.memory_space<vmem>> -> memref<80x128xf32, #tpu.memory_space<vmem>>
    %dma_wait3A_67 = arith.constant 160 : i32
    %dma_wait3A_68 = tpu.memref_slice %arg9[%dma_wait3A_67] : memref<1600xi32, #tpu.memory_space<vmem>> -> memref<80xi32, #tpu.memory_space<vmem>>
    %dma_wait3A_69 = arith.constant 0 : i32
    %dma_wait3A_70 = arith.constant 0 : i32
    %dma_wait3A_71 = tpu.memref_slice %arg5[%dma_wait3A_69, %dma_wait3A_70] : memref<1000000x128xf32, #tpu.memory_space<hbm>> -> memref<1000000x128xf32, #tpu.memory_space<hbm>>
    tpu.wait_indirect_dma semaphore(%arg16 : memref<!tpu.dma_semaphore, #tpu.memory_space<semaphore_mem>>) src(%dma_wait3A_71 : memref<1000000x128xf32, #tpu.memory_space<hbm>>) dst(%dma_wait3A_66 : memref<80x128xf32, #tpu.memory_space<vmem>>)
    %dma_wait3A_72 = arith.constant 240 : i32
    %dma_wait3A_73 = arith.constant 0 : i32
    %dma_wait3A_74 = tpu.memref_slice %arg13[%dma_wait3A_72, %dma_wait3A_73] : memref<400x128xf32, #tpu.memory_space<vmem>> -> memref<80x128xf32, #tpu.memory_space<vmem>>
    %dma_wait3A_75 = arith.constant 240 : i32
    %dma_wait3A_76 = tpu.memref_slice %arg9[%dma_wait3A_75] : memref<1600xi32, #tpu.memory_space<vmem>> -> memref<80xi32, #tpu.memory_space<vmem>>
    %dma_wait3A_77 = arith.constant 0 : i32
    %dma_wait3A_78 = arith.constant 0 : i32
    %dma_wait3A_79 = tpu.memref_slice %arg5[%dma_wait3A_77, %dma_wait3A_78] : memref<1000000x128xf32, #tpu.memory_space<hbm>> -> memref<1000000x128xf32, #tpu.memory_space<hbm>>
    tpu.wait_indirect_dma semaphore(%arg16 : memref<!tpu.dma_semaphore, #tpu.memory_space<semaphore_mem>>) src(%dma_wait3A_79 : memref<1000000x128xf32, #tpu.memory_space<hbm>>) dst(%dma_wait3A_74 : memref<80x128xf32, #tpu.memory_space<vmem>>)
    %dma_wait3A_80 = arith.constant 320 : i32
    %dma_wait3A_81 = arith.constant 0 : i32
    %dma_wait3A_82 = tpu.memref_slice %arg13[%dma_wait3A_80, %dma_wait3A_81] : memref<400x128xf32, #tpu.memory_space<vmem>> -> memref<80x128xf32, #tpu.memory_space<vmem>>
    %dma_wait3A_83 = arith.constant 320 : i32
    %dma_wait3A_84 = tpu.memref_slice %arg9[%dma_wait3A_83] : memref<1600xi32, #tpu.memory_space<vmem>> -> memref<80xi32, #tpu.memory_space<vmem>>
    %dma_wait3A_85 = arith.constant 0 : i32
    %dma_wait3A_86 = arith.constant 0 : i32
    %dma_wait3A_87 = tpu.memref_slice %arg5[%dma_wait3A_85, %dma_wait3A_86] : memref<1000000x128xf32, #tpu.memory_space<hbm>> -> memref<1000000x128xf32, #tpu.memory_space<hbm>>
    tpu.wait_indirect_dma semaphore(%arg16 : memref<!tpu.dma_semaphore, #tpu.memory_space<semaphore_mem>>) src(%dma_wait3A_87 : memref<1000000x128xf32, #tpu.memory_space<hbm>>) dst(%dma_wait3A_82 : memref<80x128xf32, #tpu.memory_space<vmem>>)
    %dma_start3A_88 = arith.constant 0 : i32
    %dma_start3A_89 = arith.constant 0 : i32
    %dma_start3A_90 = tpu.memref_slice %arg14[%dma_start3A_88, %dma_start3A_89] : memref<400x128xf32, #tpu.memory_space<vmem>> -> memref<80x128xf32, #tpu.memory_space<vmem>>
    %dma_start3A_91 = arith.constant 400 : i32
    %dma_start3A_92 = tpu.memref_slice %arg9[%dma_start3A_91] : memref<1600xi32, #tpu.memory_space<vmem>> -> memref<80xi32, #tpu.memory_space<vmem>>
    %dma_start3A_93 = arith.constant 0 : i32
    %dma_start3A_94 = arith.constant 0 : i32
    %dma_start3A_95 = tpu.memref_slice %arg5[%dma_start3A_93, %dma_start3A_94] : memref<1000000x128xf32, #tpu.memory_space<hbm>> -> memref<1000000x128xf32, #tpu.memory_space<hbm>>
    tpu.enqueue_indirect_dma source(%dma_start3A_95 : memref<1000000x128xf32, #tpu.memory_space<hbm>>) target(%dma_start3A_90 : memref<80x128xf32, #tpu.memory_space<vmem>>) offsets(%dma_start3A_92 : memref<80xi32, #tpu.memory_space<vmem>>) semaphore(%arg16 : memref<!tpu.dma_semaphore, #tpu.memory_space<semaphore_mem>>)
    %dma_start3A_96 = arith.constant 80 : i32
    %dma_start3A_97 = arith.constant 0 : i32
    %dma_start3A_98 = tpu.memref_slice %arg14[%dma_start3A_96, %dma_start3A_97] : memref<400x128xf32, #tpu.memory_space<vmem>> -> memref<80x128xf32, #tpu.memory_space<vmem>>
    %dma_start3A_99 = arith.constant 480 : i32
    %dma_start3A_100 = tpu.memref_slice %arg9[%dma_start3A_99] : memref<1600xi32, #tpu.memory_space<vmem>> -> memref<80xi32, #tpu.memory_space<vmem>>
    %dma_start3A_101 = arith.constant 0 : i32
    %dma_start3A_102 = arith.constant 0 : i32
    %dma_start3A_103 = tpu.memref_slice %arg5[%dma_start3A_101, %dma_start3A_102] : memref<1000000x128xf32, #tpu.memory_space<hbm>> -> memref<1000000x128xf32, #tpu.memory_space<hbm>>
    tpu.enqueue_indirect_dma source(%dma_start3A_103 : memref<1000000x128xf32, #tpu.memory_space<hbm>>) target(%dma_start3A_98 : memref<80x128xf32, #tpu.memory_space<vmem>>) offsets(%dma_start3A_100 : memref<80xi32, #tpu.memory_space<vmem>>) semaphore(%arg16 : memref<!tpu.dma_semaphore, #tpu.memory_space<semaphore_mem>>)
    %dma_start3A_104 = arith.constant 160 : i32
    %dma_start3A_105 = arith.constant 0 : i32
    %dma_start3A_106 = tpu.memref_slice %arg14[%dma_start3A_104, %dma_start3A_105] : memref<400x128xf32, #tpu.memory_space<vmem>> -> memref<80x128xf32, #tpu.memory_space<vmem>>
    %dma_start3A_107 = arith.constant 560 : i32
    %dma_start3A_108 = tpu.memref_slice %arg9[%dma_start3A_107] : memref<1600xi32, #tpu.memory_space<vmem>> -> memref<80xi32, #tpu.memory_space<vmem>>
    %dma_start3A_109 = arith.constant 0 : i32
    %dma_start3A_110 = arith.constant 0 : i32
    %dma_start3A_111 = tpu.memref_slice %arg5[%dma_start3A_109, %dma_start3A_110] : memref<1000000x128xf32, #tpu.memory_space<hbm>> -> memref<1000000x128xf32, #tpu.memory_space<hbm>>
    tpu.enqueue_indirect_dma source(%dma_start3A_111 : memref<1000000x128xf32, #tpu.memory_space<hbm>>) target(%dma_start3A_106 : memref<80x128xf32, #tpu.memory_space<vmem>>) offsets(%dma_start3A_108 : memref<80xi32, #tpu.memory_space<vmem>>) semaphore(%arg16 : memref<!tpu.dma_semaphore, #tpu.memory_space<semaphore_mem>>)
    %dma_start3A_112 = arith.constant 240 : i32
    %dma_start3A_113 = arith.constant 0 : i32
    %dma_start3A_114 = tpu.memref_slice %arg14[%dma_start3A_112, %dma_start3A_113] : memref<400x128xf32, #tpu.memory_space<vmem>> -> memref<80x128xf32, #tpu.memory_space<vmem>>
    %dma_start3A_115 = arith.constant 640 : i32
    %dma_start3A_116 = tpu.memref_slice %arg9[%dma_start3A_115] : memref<1600xi32, #tpu.memory_space<vmem>> -> memref<80xi32, #tpu.memory_space<vmem>>
    %dma_start3A_117 = arith.constant 0 : i32
    %dma_start3A_118 = arith.constant 0 : i32
    %dma_start3A_119 = tpu.memref_slice %arg5[%dma_start3A_117, %dma_start3A_118] : memref<1000000x128xf32, #tpu.memory_space<hbm>> -> memref<1000000x128xf32, #tpu.memory_space<hbm>>
    tpu.enqueue_indirect_dma source(%dma_start3A_119 : memref<1000000x128xf32, #tpu.memory_space<hbm>>) target(%dma_start3A_114 : memref<80x128xf32, #tpu.memory_space<vmem>>) offsets(%dma_start3A_116 : memref<80xi32, #tpu.memory_space<vmem>>) semaphore(%arg16 : memref<!tpu.dma_semaphore, #tpu.memory_space<semaphore_mem>>)
    %dma_start3A_120 = arith.constant 320 : i32
    %dma_start3A_121 = arith.constant 0 : i32
    %dma_start3A_122 = tpu.memref_slice %arg14[%dma_start3A_120, %dma_start3A_121] : memref<400x128xf32, #tpu.memory_space<vmem>> -> memref<80x128xf32, #tpu.memory_space<vmem>>
    %dma_start3A_123 = arith.constant 720 : i32
    %dma_start3A_124 = tpu.memref_slice %arg9[%dma_start3A_123] : memref<1600xi32, #tpu.memory_space<vmem>> -> memref<80xi32, #tpu.memory_space<vmem>>
    %dma_start3A_125 = arith.constant 0 : i32
    %dma_start3A_126 = arith.constant 0 : i32
    %dma_start3A_127 = tpu.memref_slice %arg5[%dma_start3A_125, %dma_start3A_126] : memref<1000000x128xf32, #tpu.memory_space<hbm>> -> memref<1000000x128xf32, #tpu.memory_space<hbm>>
    tpu.enqueue_indirect_dma source(%dma_start3A_127 : memref<1000000x128xf32, #tpu.memory_space<hbm>>) target(%dma_start3A_122 : memref<80x128xf32, #tpu.memory_space<vmem>>) offsets(%dma_start3A_124 : memref<80xi32, #tpu.memory_space<vmem>>) semaphore(%arg16 : memref<!tpu.dma_semaphore, #tpu.memory_space<semaphore_mem>>)
    %parallel_loop3A_128 = arith.constant 0 : i32
    %parallel_loop3A_129 = arith.constant 400 : i32
    %parallel_loop3A_130 = arith.constant 1 : i32
    scf.for %parallel_loop3A_348 = %parallel_loop3A_128 to %parallel_loop3A_129 step %parallel_loop3A_130  : i32 {
      %parallel_loop3A_349 = arith.constant 0 : i32
      %parallel_loop3A_350 = vector.broadcast %parallel_loop3A_349 : i32 to vector<16xi32>
      %parallel_loop3A_351 = vector.broadcast %parallel_loop3A_348 : i32 to vector<16xi32>
      %parallel_loop3A_352 = arith.addi %parallel_loop3A_350, %parallel_loop3A_351 : vector<16xi32>
      %parallel_loop3A_353 = tpu.vector_load_idx %arg12[%parallel_loop3A_352] : memref<1600xf32, #tpu.memory_space<vmem>>[vector<16xi32>], vector<16xf32>,
      %parallel_loop3A_354 = tpu.vector_load_idx %arg10[%parallel_loop3A_352] : memref<1600xi32, #tpu.memory_space<vmem>>[vector<16xi32>], vector<16xi32>,
      %parallel_loop3A_355 = tpu.iota {dimensions = array<i32: 0>} : vector<16xi32>
      %parallel_loop3A_356 = arith.constant 0 : i32
      %parallel_loop3A_357 = vector.broadcast %parallel_loop3A_356 : i32 to vector<16xi32>
      %parallel_loop3A_358 = arith.addi %parallel_loop3A_355, %parallel_loop3A_357 : vector<16xi32>
      %parallel_loop3A_359 = tpu.vector_load_idx %arg15[%parallel_loop3A_354, %parallel_loop3A_358] : memref<160x64xf32, #tpu.memory_space<vmem>>[vector<16xi32>, vector<16xi32>], vector<16xf32>,
      %parallel_loop3A_360 = arith.index_cast %parallel_loop3A_348 : i32 to index
      %parallel_loop3A_361 = arith.constant 0 : index
      %parallel_loop3A_362 = tpu.vector_load %arg13[%parallel_loop3A_360, %parallel_loop3A_361] {strides = array<i32>} : memref<400x128xf32, #tpu.memory_space<vmem>>, vector<16xf32>,
      %parallel_loop3A_363 = arith.addf %parallel_loop3A_362, %parallel_loop3A_359 : vector<16xf32>
      %parallel_loop3A_364 = arith.mulf %parallel_loop3A_363, %parallel_loop3A_353 : vector<16xf32>
      %parallel_loop3A_365 = arith.index_cast %parallel_loop3A_348 : i32 to index
      %parallel_loop3A_366 = arith.constant 0 : index
      %parallel_loop3A_367 = tpu.vector_load %arg13[%parallel_loop3A_365, %parallel_loop3A_366] {strides = array<i32>} : memref<400x128xf32, #tpu.memory_space<vmem>>, vector<16xf32>,
      tpu.vector_store %arg13[%parallel_loop3A_365, %parallel_loop3A_366], %parallel_loop3A_364 {strides = array<i32>} : memref<400x128xf32, #tpu.memory_space<vmem>>, vector<16xf32>,
      %parallel_loop3A_368 = tpu.iota {dimensions = array<i32: 0>} : vector<16xi32>
      %parallel_loop3A_369 = arith.constant 16 : i32
      %parallel_loop3A_370 = vector.broadcast %parallel_loop3A_369 : i32 to vector<16xi32>
      %parallel_loop3A_371 = arith.addi %parallel_loop3A_368, %parallel_loop3A_370 : vector<16xi32>
      %parallel_loop3A_372 = tpu.vector_load_idx %arg15[%parallel_loop3A_354, %parallel_loop3A_371] : memref<160x64xf32, #tpu.memory_space<vmem>>[vector<16xi32>, vector<16xi32>], vector<16xf32>,
      %parallel_loop3A_373 = arith.index_cast %parallel_loop3A_348 : i32 to index
      %parallel_loop3A_374 = arith.constant 16 : index
      %parallel_loop3A_375 = tpu.vector_load %arg13[%parallel_loop3A_373, %parallel_loop3A_374] {strides = array<i32>} : memref<400x128xf32, #tpu.memory_space<vmem>>, vector<16xf32>,
      %parallel_loop3A_376 = arith.addf %parallel_loop3A_375, %parallel_loop3A_372 : vector<16xf32>
      %parallel_loop3A_377 = arith.mulf %parallel_loop3A_376, %parallel_loop3A_353 : vector<16xf32>
      %parallel_loop3A_378 = arith.index_cast %parallel_loop3A_348 : i32 to index
      %parallel_loop3A_379 = arith.constant 16 : index
      %parallel_loop3A_380 = tpu.vector_load %arg13[%parallel_loop3A_378, %parallel_loop3A_379] {strides = array<i32>} : memref<400x128xf32, #tpu.memory_space<vmem>>, vector<16xf32>,
      tpu.vector_store %arg13[%parallel_loop3A_378, %parallel_loop3A_379], %parallel_loop3A_377 {strides = array<i32>} : memref<400x128xf32, #tpu.memory_space<vmem>>, vector<16xf32>,
      %parallel_loop3A_381 = tpu.iota {dimensions = array<i32: 0>} : vector<16xi32>
      %parallel_loop3A_382 = arith.constant 32 : i32
      %parallel_loop3A_383 = vector.broadcast %parallel_loop3A_382 : i32 to vector<16xi32>
      %parallel_loop3A_384 = arith.addi %parallel_loop3A_381, %parallel_loop3A_383 : vector<16xi32>
      %parallel_loop3A_385 = tpu.vector_load_idx %arg15[%parallel_loop3A_354, %parallel_loop3A_384] : memref<160x64xf32, #tpu.memory_space<vmem>>[vector<16xi32>, vector<16xi32>], vector<16xf32>,
      %parallel_loop3A_386 = arith.index_cast %parallel_loop3A_348 : i32 to index
      %parallel_loop3A_387 = arith.constant 32 : index
      %parallel_loop3A_388 = tpu.vector_load %arg13[%parallel_loop3A_386, %parallel_loop3A_387] {strides = array<i32>} : memref<400x128xf32, #tpu.memory_space<vmem>>, vector<16xf32>,
      %parallel_loop3A_389 = arith.addf %parallel_loop3A_388, %parallel_loop3A_385 : vector<16xf32>
      %parallel_loop3A_390 = arith.mulf %parallel_loop3A_389, %parallel_loop3A_353 : vector<16xf32>
      %parallel_loop3A_391 = arith.index_cast %parallel_loop3A_348 : i32 to index
      %parallel_loop3A_392 = arith.constant 32 : index
      %parallel_loop3A_393 = tpu.vector_load %arg13[%parallel_loop3A_391, %parallel_loop3A_392] {strides = array<i32>} : memref<400x128xf32, #tpu.memory_space<vmem>>, vector<16xf32>,
      tpu.vector_store %arg13[%parallel_loop3A_391, %parallel_loop3A_392], %parallel_loop3A_390 {strides = array<i32>} : memref<400x128xf32, #tpu.memory_space<vmem>>, vector<16xf32>,
      %parallel_loop3A_394 = tpu.iota {dimensions = array<i32: 0>} : vector<16xi32>
      %parallel_loop3A_395 = arith.constant 48 : i32
      %parallel_loop3A_396 = vector.broadcast %parallel_loop3A_395 : i32 to vector<16xi32>
      %parallel_loop3A_397 = arith.addi %parallel_loop3A_394, %parallel_loop3A_396 : vector<16xi32>
      %parallel_loop3A_398 = tpu.vector_load_idx %arg15[%parallel_loop3A_354, %parallel_loop3A_397] : memref<160x64xf32, #tpu.memory_space<vmem>>[vector<16xi32>, vector<16xi32>], vector<16xf32>,
      %parallel_loop3A_399 = arith.index_cast %parallel_loop3A_348 : i32 to index
      %parallel_loop3A_400 = arith.constant 48 : index
      %parallel_loop3A_401 = tpu.vector_load %arg13[%parallel_loop3A_399, %parallel_loop3A_400] {strides = array<i32>} : memref<400x128xf32, #tpu.memory_space<vmem>>, vector<16xf32>,
      %parallel_loop3A_402 = arith.addf %parallel_loop3A_401, %parallel_loop3A_398 : vector<16xf32>
      %parallel_loop3A_403 = arith.mulf %parallel_loop3A_402, %parallel_loop3A_353 : vector<16xf32>
      %parallel_loop3A_404 = arith.index_cast %parallel_loop3A_348 : i32 to index
      %parallel_loop3A_405 = arith.constant 48 : index
      %parallel_loop3A_406 = tpu.vector_load %arg13[%parallel_loop3A_404, %parallel_loop3A_405] {strides = array<i32>} : memref<400x128xf32, #tpu.memory_space<vmem>>, vector<16xf32>,
      tpu.vector_store %arg13[%parallel_loop3A_404, %parallel_loop3A_405], %parallel_loop3A_403 {strides = array<i32>} : memref<400x128xf32, #tpu.memory_space<vmem>>, vector<16xf32>,
    } {sc.loop_unroll_factor = 4 : i64, sc.parallel_access}
    %add3A_131 = arith.constant 0 : i32
    %add3A_132 = arith.addi %mul3A_2, %add3A_131 : i32
    "tpu.region"() ({
      %run_scoped3A = tpu.sem_alloc : memref<!tpu.dma_semaphore, #tpu.memory_space<semaphore_mem>>
      %dma_start3A_348 = arith.constant 0 : i32
      %dma_start3A_349 = arith.constant 0 : i32
      %dma_start3A_350 = tpu.memref_slice %arg13[%dma_start3A_348, %dma_start3A_349] : memref<400x128xf32, #tpu.memory_space<vmem>> -> memref<400x64xf32, #tpu.memory_space<vmem>>
      %dma_start3A_351 = arith.constant 0 : i32
      %dma_start3A_352 = tpu.memref_slice %arg7[%add3A_132, %dma_start3A_351] : memref<51200x64xf32, #tpu.memory_space<hbm>> -> memref<400x64xf32, #tpu.memory_space<hbm>>
      %dma_start3A_353 = arith.constant 0 : i32
      %dma_start3A_354 = tpu.memref_slice %arg7[%add3A_132, %dma_start3A_353] : memref<51200x64xf32, #tpu.memory_space<hbm>> -> memref<400x64xf32, #tpu.memory_space<hbm>>
      %dma_start3A_355 = arith.constant 0 : i32
      %dma_start3A_356 = arith.constant 0 : i32
      %dma_start3A_357 = tpu.memref_slice %arg13[%dma_start3A_355, %dma_start3A_356] : memref<400x128xf32, #tpu.memory_space<vmem>> -> memref<400x64xf32, #tpu.memory_space<vmem>>
      tpu.enqueue_dma source(%dma_start3A_357 : memref<400x64xf32, #tpu.memory_space<vmem>>) target(%dma_start3A_354 : memref<400x64xf32, #tpu.memory_space<hbm>>) target_semaphore(%run_scoped3A : memref<!tpu.dma_semaphore, #tpu.memory_space<semaphore_mem>>)
      %dma_wait3A_358 = arith.constant 0 : i32
      %dma_wait3A_359 = arith.constant 0 : i32
      %dma_wait3A_360 = tpu.memref_slice %arg13[%dma_wait3A_358, %dma_wait3A_359] : memref<400x128xf32, #tpu.memory_space<vmem>> -> memref<400x64xf32, #tpu.memory_space<vmem>>
      %dma_wait3A_361 = arith.constant 0 : i32
      %dma_wait3A_362 = tpu.memref_slice %arg7[%add3A_132, %dma_wait3A_361] : memref<51200x64xf32, #tpu.memory_space<hbm>> -> memref<400x64xf32, #tpu.memory_space<hbm>>
      %dma_wait3A_363 = arith.constant 0 : i32
      %dma_wait3A_364 = tpu.memref_slice %arg7[%add3A_132, %dma_wait3A_363] : memref<51200x64xf32, #tpu.memory_space<hbm>> -> memref<400x64xf32, #tpu.memory_space<hbm>>
      %dma_wait3A_365 = arith.constant 0 : i32
      %dma_wait3A_366 = arith.constant 0 : i32
      %dma_wait3A_367 = tpu.memref_slice %arg13[%dma_wait3A_365, %dma_wait3A_366] : memref<400x128xf32, #tpu.memory_space<vmem>> -> memref<400x64xf32, #tpu.memory_space<vmem>>
      tpu.wait_dma2 semaphore(%run_scoped3A : memref<!tpu.dma_semaphore, #tpu.memory_space<semaphore_mem>>) src(%dma_wait3A_367 : memref<400x64xf32, #tpu.memory_space<vmem>>) dst(%dma_wait3A_364 : memref<400x64xf32, #tpu.memory_space<hbm>>)
      tpu.yield
    }) : () -> ()
    %dma_wait3A_133 = arith.constant 0 : i32
    %dma_wait3A_134 = arith.constant 0 : i32
    %dma_wait3A_135 = tpu.memref_slice %arg14[%dma_wait3A_133, %dma_wait3A_134] : memref<400x128xf32, #tpu.memory_space<vmem>> -> memref<80x128xf32, #tpu.memory_space<vmem>>
    %dma_wait3A_136 = arith.constant 400 : i32
    %dma_wait3A_137 = tpu.memref_slice %arg9[%dma_wait3A_136] : memref<1600xi32, #tpu.memory_space<vmem>> -> memref<80xi32, #tpu.memory_space<vmem>>
    %dma_wait3A_138 = arith.constant 0 : i32
    %dma_wait3A_139 = arith.constant 0 : i32
    %dma_wait3A_140 = tpu.memref_slice %arg5[%dma_wait3A_138, %dma_wait3A_139] : memref<1000000x128xf32, #tpu.memory_space<hbm>> -> memref<1000000x128xf32, #tpu.memory_space<hbm>>
    tpu.wait_indirect_dma semaphore(%arg16 : memref<!tpu.dma_semaphore, #tpu.memory_space<semaphore_mem>>) src(%dma_wait3A_140 : memref<1000000x128xf32, #tpu.memory_space<hbm>>) dst(%dma_wait3A_135 : memref<80x128xf32, #tpu.memory_space<vmem>>)
    %dma_wait3A_141 = arith.constant 80 : i32
    %dma_wait3A_142 = arith.constant 0 : i32
    %dma_wait3A_143 = tpu.memref_slice %arg14[%dma_wait3A_141, %dma_wait3A_142] : memref<400x128xf32, #tpu.memory_space<vmem>> -> memref<80x128xf32, #tpu.memory_space<vmem>>
    %dma_wait3A_144 = arith.constant 480 : i32
    %dma_wait3A_145 = tpu.memref_slice %arg9[%dma_wait3A_144] : memref<1600xi32, #tpu.memory_space<vmem>> -> memref<80xi32, #tpu.memory_space<vmem>>
    %dma_wait3A_146 = arith.constant 0 : i32
    %dma_wait3A_147 = arith.constant 0 : i32
    %dma_wait3A_148 = tpu.memref_slice %arg5[%dma_wait3A_146, %dma_wait3A_147] : memref<1000000x128xf32, #tpu.memory_space<hbm>> -> memref<1000000x128xf32, #tpu.memory_space<hbm>>
    tpu.wait_indirect_dma semaphore(%arg16 : memref<!tpu.dma_semaphore, #tpu.memory_space<semaphore_mem>>) src(%dma_wait3A_148 : memref<1000000x128xf32, #tpu.memory_space<hbm>>) dst(%dma_wait3A_143 : memref<80x128xf32, #tpu.memory_space<vmem>>)
    %dma_wait3A_149 = arith.constant 160 : i32
    %dma_wait3A_150 = arith.constant 0 : i32
    %dma_wait3A_151 = tpu.memref_slice %arg14[%dma_wait3A_149, %dma_wait3A_150] : memref<400x128xf32, #tpu.memory_space<vmem>> -> memref<80x128xf32, #tpu.memory_space<vmem>>
    %dma_wait3A_152 = arith.constant 560 : i32
    %dma_wait3A_153 = tpu.memref_slice %arg9[%dma_wait3A_152] : memref<1600xi32, #tpu.memory_space<vmem>> -> memref<80xi32, #tpu.memory_space<vmem>>
    %dma_wait3A_154 = arith.constant 0 : i32
    %dma_wait3A_155 = arith.constant 0 : i32
    %dma_wait3A_156 = tpu.memref_slice %arg5[%dma_wait3A_154, %dma_wait3A_155] : memref<1000000x128xf32, #tpu.memory_space<hbm>> -> memref<1000000x128xf32, #tpu.memory_space<hbm>>
    tpu.wait_indirect_dma semaphore(%arg16 : memref<!tpu.dma_semaphore, #tpu.memory_space<semaphore_mem>>) src(%dma_wait3A_156 : memref<1000000x128xf32, #tpu.memory_space<hbm>>) dst(%dma_wait3A_151 : memref<80x128xf32, #tpu.memory_space<vmem>>)
    %dma_wait3A_157 = arith.constant 240 : i32
    %dma_wait3A_158 = arith.constant 0 : i32
    %dma_wait3A_159 = tpu.memref_slice %arg14[%dma_wait3A_157, %dma_wait3A_158] : memref<400x128xf32, #tpu.memory_space<vmem>> -> memref<80x128xf32, #tpu.memory_space<vmem>>
    %dma_wait3A_160 = arith.constant 640 : i32
    %dma_wait3A_161 = tpu.memref_slice %arg9[%dma_wait3A_160] : memref<1600xi32, #tpu.memory_space<vmem>> -> memref<80xi32, #tpu.memory_space<vmem>>
    %dma_wait3A_162 = arith.constant 0 : i32
    %dma_wait3A_163 = arith.constant 0 : i32
    %dma_wait3A_164 = tpu.memref_slice %arg5[%dma_wait3A_162, %dma_wait3A_163] : memref<1000000x128xf32, #tpu.memory_space<hbm>> -> memref<1000000x128xf32, #tpu.memory_space<hbm>>
    tpu.wait_indirect_dma semaphore(%arg16 : memref<!tpu.dma_semaphore, #tpu.memory_space<semaphore_mem>>) src(%dma_wait3A_164 : memref<1000000x128xf32, #tpu.memory_space<hbm>>) dst(%dma_wait3A_159 : memref<80x128xf32, #tpu.memory_space<vmem>>)
    %dma_wait3A_165 = arith.constant 320 : i32
    %dma_wait3A_166 = arith.constant 0 : i32
    %dma_wait3A_167 = tpu.memref_slice %arg14[%dma_wait3A_165, %dma_wait3A_166] : memref<400x128xf32, #tpu.memory_space<vmem>> -> memref<80x128xf32, #tpu.memory_space<vmem>>
    %dma_wait3A_168 = arith.constant 720 : i32
    %dma_wait3A_169 = tpu.memref_slice %arg9[%dma_wait3A_168] : memref<1600xi32, #tpu.memory_space<vmem>> -> memref<80xi32, #tpu.memory_space<vmem>>
    %dma_wait3A_170 = arith.constant 0 : i32
    %dma_wait3A_171 = arith.constant 0 : i32
    %dma_wait3A_172 = tpu.memref_slice %arg5[%dma_wait3A_170, %dma_wait3A_171] : memref<1000000x128xf32, #tpu.memory_space<hbm>> -> memref<1000000x128xf32, #tpu.memory_space<hbm>>
    tpu.wait_indirect_dma semaphore(%arg16 : memref<!tpu.dma_semaphore, #tpu.memory_space<semaphore_mem>>) src(%dma_wait3A_172 : memref<1000000x128xf32, #tpu.memory_space<hbm>>) dst(%dma_wait3A_167 : memref<80x128xf32, #tpu.memory_space<vmem>>)
    %dma_start3A_173 = arith.constant 0 : i32
    %dma_start3A_174 = arith.constant 0 : i32
    %dma_start3A_175 = tpu.memref_slice %arg13[%dma_start3A_173, %dma_start3A_174] : memref<400x128xf32, #tpu.memory_space<vmem>> -> memref<80x128xf32, #tpu.memory_space<vmem>>
    %dma_start3A_176 = arith.constant 800 : i32
    %dma_start3A_177 = tpu.memref_slice %arg9[%dma_start3A_176] : memref<1600xi32, #tpu.memory_space<vmem>> -> memref<80xi32, #tpu.memory_space<vmem>>
    %dma_start3A_178 = arith.constant 0 : i32
    %dma_start3A_179 = arith.constant 0 : i32
    %dma_start3A_180 = tpu.memref_slice %arg5[%dma_start3A_178, %dma_start3A_179] : memref<1000000x128xf32, #tpu.memory_space<hbm>> -> memref<1000000x128xf32, #tpu.memory_space<hbm>>
    tpu.enqueue_indirect_dma source(%dma_start3A_180 : memref<1000000x128xf32, #tpu.memory_space<hbm>>) target(%dma_start3A_175 : memref<80x128xf32, #tpu.memory_space<vmem>>) offsets(%dma_start3A_177 : memref<80xi32, #tpu.memory_space<vmem>>) semaphore(%arg16 : memref<!tpu.dma_semaphore, #tpu.memory_space<semaphore_mem>>)
    %dma_start3A_181 = arith.constant 80 : i32
    %dma_start3A_182 = arith.constant 0 : i32
    %dma_start3A_183 = tpu.memref_slice %arg13[%dma_start3A_181, %dma_start3A_182] : memref<400x128xf32, #tpu.memory_space<vmem>> -> memref<80x128xf32, #tpu.memory_space<vmem>>
    %dma_start3A_184 = arith.constant 880 : i32
    %dma_start3A_185 = tpu.memref_slice %arg9[%dma_start3A_184] : memref<1600xi32, #tpu.memory_space<vmem>> -> memref<80xi32, #tpu.memory_space<vmem>>
    %dma_start3A_186 = arith.constant 0 : i32
    %dma_start3A_187 = arith.constant 0 : i32
    %dma_start3A_188 = tpu.memref_slice %arg5[%dma_start3A_186, %dma_start3A_187] : memref<1000000x128xf32, #tpu.memory_space<hbm>> -> memref<1000000x128xf32, #tpu.memory_space<hbm>>
    tpu.enqueue_indirect_dma source(%dma_start3A_188 : memref<1000000x128xf32, #tpu.memory_space<hbm>>) target(%dma_start3A_183 : memref<80x128xf32, #tpu.memory_space<vmem>>) offsets(%dma_start3A_185 : memref<80xi32, #tpu.memory_space<vmem>>) semaphore(%arg16 : memref<!tpu.dma_semaphore, #tpu.memory_space<semaphore_mem>>)
    %dma_start3A_189 = arith.constant 160 : i32
    %dma_start3A_190 = arith.constant 0 : i32
    %dma_start3A_191 = tpu.memref_slice %arg13[%dma_start3A_189, %dma_start3A_190] : memref<400x128xf32, #tpu.memory_space<vmem>> -> memref<80x128xf32, #tpu.memory_space<vmem>>
    %dma_start3A_192 = arith.constant 960 : i32
    %dma_start3A_193 = tpu.memref_slice %arg9[%dma_start3A_192] : memref<1600xi32, #tpu.memory_space<vmem>> -> memref<80xi32, #tpu.memory_space<vmem>>
    %dma_start3A_194 = arith.constant 0 : i32
    %dma_start3A_195 = arith.constant 0 : i32
    %dma_start3A_196 = tpu.memref_slice %arg5[%dma_start3A_194, %dma_start3A_195] : memref<1000000x128xf32, #tpu.memory_space<hbm>> -> memref<1000000x128xf32, #tpu.memory_space<hbm>>
    tpu.enqueue_indirect_dma source(%dma_start3A_196 : memref<1000000x128xf32, #tpu.memory_space<hbm>>) target(%dma_start3A_191 : memref<80x128xf32, #tpu.memory_space<vmem>>) offsets(%dma_start3A_193 : memref<80xi32, #tpu.memory_space<vmem>>) semaphore(%arg16 : memref<!tpu.dma_semaphore, #tpu.memory_space<semaphore_mem>>)
    %dma_start3A_197 = arith.constant 240 : i32
    %dma_start3A_198 = arith.constant 0 : i32
    %dma_start3A_199 = tpu.memref_slice %arg13[%dma_start3A_197, %dma_start3A_198] : memref<400x128xf32, #tpu.memory_space<vmem>> -> memref<80x128xf32, #tpu.memory_space<vmem>>
    %dma_start3A_200 = arith.constant 1040 : i32
    %dma_start3A_201 = tpu.memref_slice %arg9[%dma_start3A_200] : memref<1600xi32, #tpu.memory_space<vmem>> -> memref<80xi32, #tpu.memory_space<vmem>>
    %dma_start3A_202 = arith.constant 0 : i32
    %dma_start3A_203 = arith.constant 0 : i32
    %dma_start3A_204 = tpu.memref_slice %arg5[%dma_start3A_202, %dma_start3A_203] : memref<1000000x128xf32, #tpu.memory_space<hbm>> -> memref<1000000x128xf32, #tpu.memory_space<hbm>>
    tpu.enqueue_indirect_dma source(%dma_start3A_204 : memref<1000000x128xf32, #tpu.memory_space<hbm>>) target(%dma_start3A_199 : memref<80x128xf32, #tpu.memory_space<vmem>>) offsets(%dma_start3A_201 : memref<80xi32, #tpu.memory_space<vmem>>) semaphore(%arg16 : memref<!tpu.dma_semaphore, #tpu.memory_space<semaphore_mem>>)
    %dma_start3A_205 = arith.constant 320 : i32
    %dma_start3A_206 = arith.constant 0 : i32
    %dma_start3A_207 = tpu.memref_slice %arg13[%dma_start3A_205, %dma_start3A_206] : memref<400x128xf32, #tpu.memory_space<vmem>> -> memref<80x128xf32, #tpu.memory_space<vmem>>
    %dma_start3A_208 = arith.constant 1120 : i32
    %dma_start3A_209 = tpu.memref_slice %arg9[%dma_start3A_208] : memref<1600xi32, #tpu.memory_space<vmem>> -> memref<80xi32, #tpu.memory_space<vmem>>
    %dma_start3A_210 = arith.constant 0 : i32
    %dma_start3A_211 = arith.constant 0 : i32
    %dma_start3A_212 = tpu.memref_slice %arg5[%dma_start3A_210, %dma_start3A_211] : memref<1000000x128xf32, #tpu.memory_space<hbm>> -> memref<1000000x128xf32, #tpu.memory_space<hbm>>
    tpu.enqueue_indirect_dma source(%dma_start3A_212 : memref<1000000x128xf32, #tpu.memory_space<hbm>>) target(%dma_start3A_207 : memref<80x128xf32, #tpu.memory_space<vmem>>) offsets(%dma_start3A_209 : memref<80xi32, #tpu.memory_space<vmem>>) semaphore(%arg16 : memref<!tpu.dma_semaphore, #tpu.memory_space<semaphore_mem>>)
    %parallel_loop3A_213 = arith.constant 0 : i32
    %parallel_loop3A_214 = arith.constant 400 : i32
    %parallel_loop3A_215 = arith.constant 1 : i32
    scf.for %parallel_loop3A_348 = %parallel_loop3A_213 to %parallel_loop3A_214 step %parallel_loop3A_215  : i32 {
      %parallel_loop3A_349 = arith.constant 400 : i32
      %parallel_loop3A_350 = vector.broadcast %parallel_loop3A_349 : i32 to vector<16xi32>
      %parallel_loop3A_351 = vector.broadcast %parallel_loop3A_348 : i32 to vector<16xi32>
      %parallel_loop3A_352 = arith.addi %parallel_loop3A_350, %parallel_loop3A_351 : vector<16xi32>
      %parallel_loop3A_353 = tpu.vector_load_idx %arg12[%parallel_loop3A_352] : memref<1600xf32, #tpu.memory_space<vmem>>[vector<16xi32>], vector<16xf32>,
      %parallel_loop3A_354 = tpu.vector_load_idx %arg10[%parallel_loop3A_352] : memref<1600xi32, #tpu.memory_space<vmem>>[vector<16xi32>], vector<16xi32>,
      %parallel_loop3A_355 = tpu.iota {dimensions = array<i32: 0>} : vector<16xi32>
      %parallel_loop3A_356 = arith.constant 0 : i32
      %parallel_loop3A_357 = vector.broadcast %parallel_loop3A_356 : i32 to vector<16xi32>
      %parallel_loop3A_358 = arith.addi %parallel_loop3A_355, %parallel_loop3A_357 : vector<16xi32>
      %parallel_loop3A_359 = tpu.vector_load_idx %arg15[%parallel_loop3A_354, %parallel_loop3A_358] : memref<160x64xf32, #tpu.memory_space<vmem>>[vector<16xi32>, vector<16xi32>], vector<16xf32>,
      %parallel_loop3A_360 = arith.index_cast %parallel_loop3A_348 : i32 to index
      %parallel_loop3A_361 = arith.constant 0 : index
      %parallel_loop3A_362 = tpu.vector_load %arg14[%parallel_loop3A_360, %parallel_loop3A_361] {strides = array<i32>} : memref<400x128xf32, #tpu.memory_space<vmem>>, vector<16xf32>,
      %parallel_loop3A_363 = arith.addf %parallel_loop3A_362, %parallel_loop3A_359 : vector<16xf32>
      %parallel_loop3A_364 = arith.mulf %parallel_loop3A_363, %parallel_loop3A_353 : vector<16xf32>
      %parallel_loop3A_365 = arith.index_cast %parallel_loop3A_348 : i32 to index
      %parallel_loop3A_366 = arith.constant 0 : index
      %parallel_loop3A_367 = tpu.vector_load %arg14[%parallel_loop3A_365, %parallel_loop3A_366] {strides = array<i32>} : memref<400x128xf32, #tpu.memory_space<vmem>>, vector<16xf32>,
      tpu.vector_store %arg14[%parallel_loop3A_365, %parallel_loop3A_366], %parallel_loop3A_364 {strides = array<i32>} : memref<400x128xf32, #tpu.memory_space<vmem>>, vector<16xf32>,
      %parallel_loop3A_368 = tpu.iota {dimensions = array<i32: 0>} : vector<16xi32>
      %parallel_loop3A_369 = arith.constant 16 : i32
      %parallel_loop3A_370 = vector.broadcast %parallel_loop3A_369 : i32 to vector<16xi32>
      %parallel_loop3A_371 = arith.addi %parallel_loop3A_368, %parallel_loop3A_370 : vector<16xi32>
      %parallel_loop3A_372 = tpu.vector_load_idx %arg15[%parallel_loop3A_354, %parallel_loop3A_371] : memref<160x64xf32, #tpu.memory_space<vmem>>[vector<16xi32>, vector<16xi32>], vector<16xf32>,
      %parallel_loop3A_373 = arith.index_cast %parallel_loop3A_348 : i32 to index
      %parallel_loop3A_374 = arith.constant 16 : index
      %parallel_loop3A_375 = tpu.vector_load %arg14[%parallel_loop3A_373, %parallel_loop3A_374] {strides = array<i32>} : memref<400x128xf32, #tpu.memory_space<vmem>>, vector<16xf32>,
      %parallel_loop3A_376 = arith.addf %parallel_loop3A_375, %parallel_loop3A_372 : vector<16xf32>
      %parallel_loop3A_377 = arith.mulf %parallel_loop3A_376, %parallel_loop3A_353 : vector<16xf32>
      %parallel_loop3A_378 = arith.index_cast %parallel_loop3A_348 : i32 to index
      %parallel_loop3A_379 = arith.constant 16 : index
      %parallel_loop3A_380 = tpu.vector_load %arg14[%parallel_loop3A_378, %parallel_loop3A_379] {strides = array<i32>} : memref<400x128xf32, #tpu.memory_space<vmem>>, vector<16xf32>,
      tpu.vector_store %arg14[%parallel_loop3A_378, %parallel_loop3A_379], %parallel_loop3A_377 {strides = array<i32>} : memref<400x128xf32, #tpu.memory_space<vmem>>, vector<16xf32>,
      %parallel_loop3A_381 = tpu.iota {dimensions = array<i32: 0>} : vector<16xi32>
      %parallel_loop3A_382 = arith.constant 32 : i32
      %parallel_loop3A_383 = vector.broadcast %parallel_loop3A_382 : i32 to vector<16xi32>
      %parallel_loop3A_384 = arith.addi %parallel_loop3A_381, %parallel_loop3A_383 : vector<16xi32>
      %parallel_loop3A_385 = tpu.vector_load_idx %arg15[%parallel_loop3A_354, %parallel_loop3A_384] : memref<160x64xf32, #tpu.memory_space<vmem>>[vector<16xi32>, vector<16xi32>], vector<16xf32>,
      %parallel_loop3A_386 = arith.index_cast %parallel_loop3A_348 : i32 to index
      %parallel_loop3A_387 = arith.constant 32 : index
      %parallel_loop3A_388 = tpu.vector_load %arg14[%parallel_loop3A_386, %parallel_loop3A_387] {strides = array<i32>} : memref<400x128xf32, #tpu.memory_space<vmem>>, vector<16xf32>,
      %parallel_loop3A_389 = arith.addf %parallel_loop3A_388, %parallel_loop3A_385 : vector<16xf32>
      %parallel_loop3A_390 = arith.mulf %parallel_loop3A_389, %parallel_loop3A_353 : vector<16xf32>
      %parallel_loop3A_391 = arith.index_cast %parallel_loop3A_348 : i32 to index
      %parallel_loop3A_392 = arith.constant 32 : index
      %parallel_loop3A_393 = tpu.vector_load %arg14[%parallel_loop3A_391, %parallel_loop3A_392] {strides = array<i32>} : memref<400x128xf32, #tpu.memory_space<vmem>>, vector<16xf32>,
      tpu.vector_store %arg14[%parallel_loop3A_391, %parallel_loop3A_392], %parallel_loop3A_390 {strides = array<i32>} : memref<400x128xf32, #tpu.memory_space<vmem>>, vector<16xf32>,
      %parallel_loop3A_394 = tpu.iota {dimensions = array<i32: 0>} : vector<16xi32>
      %parallel_loop3A_395 = arith.constant 48 : i32
      %parallel_loop3A_396 = vector.broadcast %parallel_loop3A_395 : i32 to vector<16xi32>
      %parallel_loop3A_397 = arith.addi %parallel_loop3A_394, %parallel_loop3A_396 : vector<16xi32>
      %parallel_loop3A_398 = tpu.vector_load_idx %arg15[%parallel_loop3A_354, %parallel_loop3A_397] : memref<160x64xf32, #tpu.memory_space<vmem>>[vector<16xi32>, vector<16xi32>], vector<16xf32>,
      %parallel_loop3A_399 = arith.index_cast %parallel_loop3A_348 : i32 to index
      %parallel_loop3A_400 = arith.constant 48 : index
      %parallel_loop3A_401 = tpu.vector_load %arg14[%parallel_loop3A_399, %parallel_loop3A_400] {strides = array<i32>} : memref<400x128xf32, #tpu.memory_space<vmem>>, vector<16xf32>,
      %parallel_loop3A_402 = arith.addf %parallel_loop3A_401, %parallel_loop3A_398 : vector<16xf32>
      %parallel_loop3A_403 = arith.mulf %parallel_loop3A_402, %parallel_loop3A_353 : vector<16xf32>
      %parallel_loop3A_404 = arith.index_cast %parallel_loop3A_348 : i32 to index
      %parallel_loop3A_405 = arith.constant 48 : index
      %parallel_loop3A_406 = tpu.vector_load %arg14[%parallel_loop3A_404, %parallel_loop3A_405] {strides = array<i32>} : memref<400x128xf32, #tpu.memory_space<vmem>>, vector<16xf32>,
      tpu.vector_store %arg14[%parallel_loop3A_404, %parallel_loop3A_405], %parallel_loop3A_403 {strides = array<i32>} : memref<400x128xf32, #tpu.memory_space<vmem>>, vector<16xf32>,
    } {sc.loop_unroll_factor = 4 : i64, sc.parallel_access}
    %add3A_216 = arith.constant 400 : i32
    %add3A_217 = arith.addi %mul3A_2, %add3A_216 : i32
    "tpu.region"() ({
      %run_scoped3A = tpu.sem_alloc : memref<!tpu.dma_semaphore, #tpu.memory_space<semaphore_mem>>
      %dma_start3A_348 = arith.constant 0 : i32
      %dma_start3A_349 = arith.constant 0 : i32
      %dma_start3A_350 = tpu.memref_slice %arg14[%dma_start3A_348, %dma_start3A_349] : memref<400x128xf32, #tpu.memory_space<vmem>> -> memref<400x64xf32, #tpu.memory_space<vmem>>
      %dma_start3A_351 = arith.constant 0 : i32
      %dma_start3A_352 = tpu.memref_slice %arg7[%add3A_217, %dma_start3A_351] : memref<51200x64xf32, #tpu.memory_space<hbm>> -> memref<400x64xf32, #tpu.memory_space<hbm>>
      %dma_start3A_353 = arith.constant 0 : i32
      %dma_start3A_354 = tpu.memref_slice %arg7[%add3A_217, %dma_start3A_353] : memref<51200x64xf32, #tpu.memory_space<hbm>> -> memref<400x64xf32, #tpu.memory_space<hbm>>
      %dma_start3A_355 = arith.constant 0 : i32
      %dma_start3A_356 = arith.constant 0 : i32
      %dma_start3A_357 = tpu.memref_slice %arg14[%dma_start3A_355, %dma_start3A_356] : memref<400x128xf32, #tpu.memory_space<vmem>> -> memref<400x64xf32, #tpu.memory_space<vmem>>
      tpu.enqueue_dma source(%dma_start3A_357 : memref<400x64xf32, #tpu.memory_space<vmem>>) target(%dma_start3A_354 : memref<400x64xf32, #tpu.memory_space<hbm>>) target_semaphore(%run_scoped3A : memref<!tpu.dma_semaphore, #tpu.memory_space<semaphore_mem>>)
      %dma_wait3A_358 = arith.constant 0 : i32
      %dma_wait3A_359 = arith.constant 0 : i32
      %dma_wait3A_360 = tpu.memref_slice %arg14[%dma_wait3A_358, %dma_wait3A_359] : memref<400x128xf32, #tpu.memory_space<vmem>> -> memref<400x64xf32, #tpu.memory_space<vmem>>
      %dma_wait3A_361 = arith.constant 0 : i32
      %dma_wait3A_362 = tpu.memref_slice %arg7[%add3A_217, %dma_wait3A_361] : memref<51200x64xf32, #tpu.memory_space<hbm>> -> memref<400x64xf32, #tpu.memory_space<hbm>>
      %dma_wait3A_363 = arith.constant 0 : i32
      %dma_wait3A_364 = tpu.memref_slice %arg7[%add3A_217, %dma_wait3A_363] : memref<51200x64xf32, #tpu.memory_space<hbm>> -> memref<400x64xf32, #tpu.memory_space<hbm>>
      %dma_wait3A_365 = arith.constant 0 : i32
      %dma_wait3A_366 = arith.constant 0 : i32
      %dma_wait3A_367 = tpu.memref_slice %arg14[%dma_wait3A_365, %dma_wait3A_366] : memref<400x128xf32, #tpu.memory_space<vmem>> -> memref<400x64xf32, #tpu.memory_space<vmem>>
      tpu.wait_dma2 semaphore(%run_scoped3A : memref<!tpu.dma_semaphore, #tpu.memory_space<semaphore_mem>>) src(%dma_wait3A_367 : memref<400x64xf32, #tpu.memory_space<vmem>>) dst(%dma_wait3A_364 : memref<400x64xf32, #tpu.memory_space<hbm>>)
      tpu.yield
    }) : () -> ()
    %dma_wait3A_218 = arith.constant 0 : i32
    %dma_wait3A_219 = arith.constant 0 : i32
    %dma_wait3A_220 = tpu.memref_slice %arg13[%dma_wait3A_218, %dma_wait3A_219] : memref<400x128xf32, #tpu.memory_space<vmem>> -> memref<80x128xf32, #tpu.memory_space<vmem>>
    %dma_wait3A_221 = arith.constant 800 : i32
    %dma_wait3A_222 = tpu.memref_slice %arg9[%dma_wait3A_221] : memref<1600xi32, #tpu.memory_space<vmem>> -> memref<80xi32, #tpu.memory_space<vmem>>
    %dma_wait3A_223 = arith.constant 0 : i32
    %dma_wait3A_224 = arith.constant 0 : i32
    %dma_wait3A_225 = tpu.memref_slice %arg5[%dma_wait3A_223, %dma_wait3A_224] : memref<1000000x128xf32, #tpu.memory_space<hbm>> -> memref<1000000x128xf32, #tpu.memory_space<hbm>>
    tpu.wait_indirect_dma semaphore(%arg16 : memref<!tpu.dma_semaphore, #tpu.memory_space<semaphore_mem>>) src(%dma_wait3A_225 : memref<1000000x128xf32, #tpu.memory_space<hbm>>) dst(%dma_wait3A_220 : memref<80x128xf32, #tpu.memory_space<vmem>>)
    %dma_wait3A_226 = arith.constant 80 : i32
    %dma_wait3A_227 = arith.constant 0 : i32
    %dma_wait3A_228 = tpu.memref_slice %arg13[%dma_wait3A_226, %dma_wait3A_227] : memref<400x128xf32, #tpu.memory_space<vmem>> -> memref<80x128xf32, #tpu.memory_space<vmem>>
    %dma_wait3A_229 = arith.constant 880 : i32
    %dma_wait3A_230 = tpu.memref_slice %arg9[%dma_wait3A_229] : memref<1600xi32, #tpu.memory_space<vmem>> -> memref<80xi32, #tpu.memory_space<vmem>>
    %dma_wait3A_231 = arith.constant 0 : i32
    %dma_wait3A_232 = arith.constant 0 : i32
    %dma_wait3A_233 = tpu.memref_slice %arg5[%dma_wait3A_231, %dma_wait3A_232] : memref<1000000x128xf32, #tpu.memory_space<hbm>> -> memref<1000000x128xf32, #tpu.memory_space<hbm>>
    tpu.wait_indirect_dma semaphore(%arg16 : memref<!tpu.dma_semaphore, #tpu.memory_space<semaphore_mem>>) src(%dma_wait3A_233 : memref<1000000x128xf32, #tpu.memory_space<hbm>>) dst(%dma_wait3A_228 : memref<80x128xf32, #tpu.memory_space<vmem>>)
    %dma_wait3A_234 = arith.constant 160 : i32
    %dma_wait3A_235 = arith.constant 0 : i32
    %dma_wait3A_236 = tpu.memref_slice %arg13[%dma_wait3A_234, %dma_wait3A_235] : memref<400x128xf32, #tpu.memory_space<vmem>> -> memref<80x128xf32, #tpu.memory_space<vmem>>
    %dma_wait3A_237 = arith.constant 960 : i32
    %dma_wait3A_238 = tpu.memref_slice %arg9[%dma_wait3A_237] : memref<1600xi32, #tpu.memory_space<vmem>> -> memref<80xi32, #tpu.memory_space<vmem>>
    %dma_wait3A_239 = arith.constant 0 : i32
    %dma_wait3A_240 = arith.constant 0 : i32
    %dma_wait3A_241 = tpu.memref_slice %arg5[%dma_wait3A_239, %dma_wait3A_240] : memref<1000000x128xf32, #tpu.memory_space<hbm>> -> memref<1000000x128xf32, #tpu.memory_space<hbm>>
    tpu.wait_indirect_dma semaphore(%arg16 : memref<!tpu.dma_semaphore, #tpu.memory_space<semaphore_mem>>) src(%dma_wait3A_241 : memref<1000000x128xf32, #tpu.memory_space<hbm>>) dst(%dma_wait3A_236 : memref<80x128xf32, #tpu.memory_space<vmem>>)
    %dma_wait3A_242 = arith.constant 240 : i32
    %dma_wait3A_243 = arith.constant 0 : i32
    %dma_wait3A_244 = tpu.memref_slice %arg13[%dma_wait3A_242, %dma_wait3A_243] : memref<400x128xf32, #tpu.memory_space<vmem>> -> memref<80x128xf32, #tpu.memory_space<vmem>>
    %dma_wait3A_245 = arith.constant 1040 : i32
    %dma_wait3A_246 = tpu.memref_slice %arg9[%dma_wait3A_245] : memref<1600xi32, #tpu.memory_space<vmem>> -> memref<80xi32, #tpu.memory_space<vmem>>
    %dma_wait3A_247 = arith.constant 0 : i32
    %dma_wait3A_248 = arith.constant 0 : i32
    %dma_wait3A_249 = tpu.memref_slice %arg5[%dma_wait3A_247, %dma_wait3A_248] : memref<1000000x128xf32, #tpu.memory_space<hbm>> -> memref<1000000x128xf32, #tpu.memory_space<hbm>>
    tpu.wait_indirect_dma semaphore(%arg16 : memref<!tpu.dma_semaphore, #tpu.memory_space<semaphore_mem>>) src(%dma_wait3A_249 : memref<1000000x128xf32, #tpu.memory_space<hbm>>) dst(%dma_wait3A_244 : memref<80x128xf32, #tpu.memory_space<vmem>>)
    %dma_wait3A_250 = arith.constant 320 : i32
    %dma_wait3A_251 = arith.constant 0 : i32
    %dma_wait3A_252 = tpu.memref_slice %arg13[%dma_wait3A_250, %dma_wait3A_251] : memref<400x128xf32, #tpu.memory_space<vmem>> -> memref<80x128xf32, #tpu.memory_space<vmem>>
    %dma_wait3A_253 = arith.constant 1120 : i32
    %dma_wait3A_254 = tpu.memref_slice %arg9[%dma_wait3A_253] : memref<1600xi32, #tpu.memory_space<vmem>> -> memref<80xi32, #tpu.memory_space<vmem>>
    %dma_wait3A_255 = arith.constant 0 : i32
    %dma_wait3A_256 = arith.constant 0 : i32
    %dma_wait3A_257 = tpu.memref_slice %arg5[%dma_wait3A_255, %dma_wait3A_256] : memref<1000000x128xf32, #tpu.memory_space<hbm>> -> memref<1000000x128xf32, #tpu.memory_space<hbm>>
    tpu.wait_indirect_dma semaphore(%arg16 : memref<!tpu.dma_semaphore, #tpu.memory_space<semaphore_mem>>) src(%dma_wait3A_257 : memref<1000000x128xf32, #tpu.memory_space<hbm>>) dst(%dma_wait3A_252 : memref<80x128xf32, #tpu.memory_space<vmem>>)
    %dma_start3A_258 = arith.constant 0 : i32
    %dma_start3A_259 = arith.constant 0 : i32
    %dma_start3A_260 = tpu.memref_slice %arg14[%dma_start3A_258, %dma_start3A_259] : memref<400x128xf32, #tpu.memory_space<vmem>> -> memref<80x128xf32, #tpu.memory_space<vmem>>
    %dma_start3A_261 = arith.constant 1200 : i32
    %dma_start3A_262 = tpu.memref_slice %arg9[%dma_start3A_261] : memref<1600xi32, #tpu.memory_space<vmem>> -> memref<80xi32, #tpu.memory_space<vmem>>
    %dma_start3A_263 = arith.constant 0 : i32
    %dma_start3A_264 = arith.constant 0 : i32
    %dma_start3A_265 = tpu.memref_slice %arg5[%dma_start3A_263, %dma_start3A_264] : memref<1000000x128xf32, #tpu.memory_space<hbm>> -> memref<1000000x128xf32, #tpu.memory_space<hbm>>
    tpu.enqueue_indirect_dma source(%dma_start3A_265 : memref<1000000x128xf32, #tpu.memory_space<hbm>>) target(%dma_start3A_260 : memref<80x128xf32, #tpu.memory_space<vmem>>) offsets(%dma_start3A_262 : memref<80xi32, #tpu.memory_space<vmem>>) semaphore(%arg16 : memref<!tpu.dma_semaphore, #tpu.memory_space<semaphore_mem>>)
    %dma_start3A_266 = arith.constant 80 : i32
    %dma_start3A_267 = arith.constant 0 : i32
    %dma_start3A_268 = tpu.memref_slice %arg14[%dma_start3A_266, %dma_start3A_267] : memref<400x128xf32, #tpu.memory_space<vmem>> -> memref<80x128xf32, #tpu.memory_space<vmem>>
    %dma_start3A_269 = arith.constant 1280 : i32
    %dma_start3A_270 = tpu.memref_slice %arg9[%dma_start3A_269] : memref<1600xi32, #tpu.memory_space<vmem>> -> memref<80xi32, #tpu.memory_space<vmem>>
    %dma_start3A_271 = arith.constant 0 : i32
    %dma_start3A_272 = arith.constant 0 : i32
    %dma_start3A_273 = tpu.memref_slice %arg5[%dma_start3A_271, %dma_start3A_272] : memref<1000000x128xf32, #tpu.memory_space<hbm>> -> memref<1000000x128xf32, #tpu.memory_space<hbm>>
    tpu.enqueue_indirect_dma source(%dma_start3A_273 : memref<1000000x128xf32, #tpu.memory_space<hbm>>) target(%dma_start3A_268 : memref<80x128xf32, #tpu.memory_space<vmem>>) offsets(%dma_start3A_270 : memref<80xi32, #tpu.memory_space<vmem>>) semaphore(%arg16 : memref<!tpu.dma_semaphore, #tpu.memory_space<semaphore_mem>>)
    %dma_start3A_274 = arith.constant 160 : i32
    %dma_start3A_275 = arith.constant 0 : i32
    %dma_start3A_276 = tpu.memref_slice %arg14[%dma_start3A_274, %dma_start3A_275] : memref<400x128xf32, #tpu.memory_space<vmem>> -> memref<80x128xf32, #tpu.memory_space<vmem>>
    %dma_start3A_277 = arith.constant 1360 : i32
    %dma_start3A_278 = tpu.memref_slice %arg9[%dma_start3A_277] : memref<1600xi32, #tpu.memory_space<vmem>> -> memref<80xi32, #tpu.memory_space<vmem>>
    %dma_start3A_279 = arith.constant 0 : i32
    %dma_start3A_280 = arith.constant 0 : i32
    %dma_start3A_281 = tpu.memref_slice %arg5[%dma_start3A_279, %dma_start3A_280] : memref<1000000x128xf32, #tpu.memory_space<hbm>> -> memref<1000000x128xf32, #tpu.memory_space<hbm>>
    tpu.enqueue_indirect_dma source(%dma_start3A_281 : memref<1000000x128xf32, #tpu.memory_space<hbm>>) target(%dma_start3A_276 : memref<80x128xf32, #tpu.memory_space<vmem>>) offsets(%dma_start3A_278 : memref<80xi32, #tpu.memory_space<vmem>>) semaphore(%arg16 : memref<!tpu.dma_semaphore, #tpu.memory_space<semaphore_mem>>)
    %dma_start3A_282 = arith.constant 240 : i32
    %dma_start3A_283 = arith.constant 0 : i32
    %dma_start3A_284 = tpu.memref_slice %arg14[%dma_start3A_282, %dma_start3A_283] : memref<400x128xf32, #tpu.memory_space<vmem>> -> memref<80x128xf32, #tpu.memory_space<vmem>>
    %dma_start3A_285 = arith.constant 1440 : i32
    %dma_start3A_286 = tpu.memref_slice %arg9[%dma_start3A_285] : memref<1600xi32, #tpu.memory_space<vmem>> -> memref<80xi32, #tpu.memory_space<vmem>>
    %dma_start3A_287 = arith.constant 0 : i32
    %dma_start3A_288 = arith.constant 0 : i32
    %dma_start3A_289 = tpu.memref_slice %arg5[%dma_start3A_287, %dma_start3A_288] : memref<1000000x128xf32, #tpu.memory_space<hbm>> -> memref<1000000x128xf32, #tpu.memory_space<hbm>>
    tpu.enqueue_indirect_dma source(%dma_start3A_289 : memref<1000000x128xf32, #tpu.memory_space<hbm>>) target(%dma_start3A_284 : memref<80x128xf32, #tpu.memory_space<vmem>>) offsets(%dma_start3A_286 : memref<80xi32, #tpu.memory_space<vmem>>) semaphore(%arg16 : memref<!tpu.dma_semaphore, #tpu.memory_space<semaphore_mem>>)
    %dma_start3A_290 = arith.constant 320 : i32
    %dma_start3A_291 = arith.constant 0 : i32
    %dma_start3A_292 = tpu.memref_slice %arg14[%dma_start3A_290, %dma_start3A_291] : memref<400x128xf32, #tpu.memory_space<vmem>> -> memref<80x128xf32, #tpu.memory_space<vmem>>
    %dma_start3A_293 = arith.constant 1520 : i32
    %dma_start3A_294 = tpu.memref_slice %arg9[%dma_start3A_293] : memref<1600xi32, #tpu.memory_space<vmem>> -> memref<80xi32, #tpu.memory_space<vmem>>
    %dma_start3A_295 = arith.constant 0 : i32
    %dma_start3A_296 = arith.constant 0 : i32
    %dma_start3A_297 = tpu.memref_slice %arg5[%dma_start3A_295, %dma_start3A_296] : memref<1000000x128xf32, #tpu.memory_space<hbm>> -> memref<1000000x128xf32, #tpu.memory_space<hbm>>
    tpu.enqueue_indirect_dma source(%dma_start3A_297 : memref<1000000x128xf32, #tpu.memory_space<hbm>>) target(%dma_start3A_292 : memref<80x128xf32, #tpu.memory_space<vmem>>) offsets(%dma_start3A_294 : memref<80xi32, #tpu.memory_space<vmem>>) semaphore(%arg16 : memref<!tpu.dma_semaphore, #tpu.memory_space<semaphore_mem>>)
    %parallel_loop3A_298 = arith.constant 0 : i32
    %parallel_loop3A_299 = arith.constant 400 : i32
    %parallel_loop3A_300 = arith.constant 1 : i32
    scf.for %parallel_loop3A_348 = %parallel_loop3A_298 to %parallel_loop3A_299 step %parallel_loop3A_300  : i32 {
      %parallel_loop3A_349 = arith.constant 800 : i32
      %parallel_loop3A_350 = vector.broadcast %parallel_loop3A_349 : i32 to vector<16xi32>
      %parallel_loop3A_351 = vector.broadcast %parallel_loop3A_348 : i32 to vector<16xi32>
      %parallel_loop3A_352 = arith.addi %parallel_loop3A_350, %parallel_loop3A_351 : vector<16xi32>
      %parallel_loop3A_353 = tpu.vector_load_idx %arg12[%parallel_loop3A_352] : memref<1600xf32, #tpu.memory_space<vmem>>[vector<16xi32>], vector<16xf32>,
      %parallel_loop3A_354 = tpu.vector_load_idx %arg10[%parallel_loop3A_352] : memref<1600xi32, #tpu.memory_space<vmem>>[vector<16xi32>], vector<16xi32>,
      %parallel_loop3A_355 = tpu.iota {dimensions = array<i32: 0>} : vector<16xi32>
      %parallel_loop3A_356 = arith.constant 0 : i32
      %parallel_loop3A_357 = vector.broadcast %parallel_loop3A_356 : i32 to vector<16xi32>
      %parallel_loop3A_358 = arith.addi %parallel_loop3A_355, %parallel_loop3A_357 : vector<16xi32>
      %parallel_loop3A_359 = tpu.vector_load_idx %arg15[%parallel_loop3A_354, %parallel_loop3A_358] : memref<160x64xf32, #tpu.memory_space<vmem>>[vector<16xi32>, vector<16xi32>], vector<16xf32>,
      %parallel_loop3A_360 = arith.index_cast %parallel_loop3A_348 : i32 to index
      %parallel_loop3A_361 = arith.constant 0 : index
      %parallel_loop3A_362 = tpu.vector_load %arg13[%parallel_loop3A_360, %parallel_loop3A_361] {strides = array<i32>} : memref<400x128xf32, #tpu.memory_space<vmem>>, vector<16xf32>,
      %parallel_loop3A_363 = arith.addf %parallel_loop3A_362, %parallel_loop3A_359 : vector<16xf32>
      %parallel_loop3A_364 = arith.mulf %parallel_loop3A_363, %parallel_loop3A_353 : vector<16xf32>
      %parallel_loop3A_365 = arith.index_cast %parallel_loop3A_348 : i32 to index
      %parallel_loop3A_366 = arith.constant 0 : index
      %parallel_loop3A_367 = tpu.vector_load %arg13[%parallel_loop3A_365, %parallel_loop3A_366] {strides = array<i32>} : memref<400x128xf32, #tpu.memory_space<vmem>>, vector<16xf32>,
      tpu.vector_store %arg13[%parallel_loop3A_365, %parallel_loop3A_366], %parallel_loop3A_364 {strides = array<i32>} : memref<400x128xf32, #tpu.memory_space<vmem>>, vector<16xf32>,
      %parallel_loop3A_368 = tpu.iota {dimensions = array<i32: 0>} : vector<16xi32>
      %parallel_loop3A_369 = arith.constant 16 : i32
      %parallel_loop3A_370 = vector.broadcast %parallel_loop3A_369 : i32 to vector<16xi32>
      %parallel_loop3A_371 = arith.addi %parallel_loop3A_368, %parallel_loop3A_370 : vector<16xi32>
      %parallel_loop3A_372 = tpu.vector_load_idx %arg15[%parallel_loop3A_354, %parallel_loop3A_371] : memref<160x64xf32, #tpu.memory_space<vmem>>[vector<16xi32>, vector<16xi32>], vector<16xf32>,
      %parallel_loop3A_373 = arith.index_cast %parallel_loop3A_348 : i32 to index
      %parallel_loop3A_374 = arith.constant 16 : index
      %parallel_loop3A_375 = tpu.vector_load %arg13[%parallel_loop3A_373, %parallel_loop3A_374] {strides = array<i32>} : memref<400x128xf32, #tpu.memory_space<vmem>>, vector<16xf32>,
      %parallel_loop3A_376 = arith.addf %parallel_loop3A_375, %parallel_loop3A_372 : vector<16xf32>
      %parallel_loop3A_377 = arith.mulf %parallel_loop3A_376, %parallel_loop3A_353 : vector<16xf32>
      %parallel_loop3A_378 = arith.index_cast %parallel_loop3A_348 : i32 to index
      %parallel_loop3A_379 = arith.constant 16 : index
      %parallel_loop3A_380 = tpu.vector_load %arg13[%parallel_loop3A_378, %parallel_loop3A_379] {strides = array<i32>} : memref<400x128xf32, #tpu.memory_space<vmem>>, vector<16xf32>,
      tpu.vector_store %arg13[%parallel_loop3A_378, %parallel_loop3A_379], %parallel_loop3A_377 {strides = array<i32>} : memref<400x128xf32, #tpu.memory_space<vmem>>, vector<16xf32>,
      %parallel_loop3A_381 = tpu.iota {dimensions = array<i32: 0>} : vector<16xi32>
      %parallel_loop3A_382 = arith.constant 32 : i32
      %parallel_loop3A_383 = vector.broadcast %parallel_loop3A_382 : i32 to vector<16xi32>
      %parallel_loop3A_384 = arith.addi %parallel_loop3A_381, %parallel_loop3A_383 : vector<16xi32>
      %parallel_loop3A_385 = tpu.vector_load_idx %arg15[%parallel_loop3A_354, %parallel_loop3A_384] : memref<160x64xf32, #tpu.memory_space<vmem>>[vector<16xi32>, vector<16xi32>], vector<16xf32>,
      %parallel_loop3A_386 = arith.index_cast %parallel_loop3A_348 : i32 to index
      %parallel_loop3A_387 = arith.constant 32 : index
      %parallel_loop3A_388 = tpu.vector_load %arg13[%parallel_loop3A_386, %parallel_loop3A_387] {strides = array<i32>} : memref<400x128xf32, #tpu.memory_space<vmem>>, vector<16xf32>,
      %parallel_loop3A_389 = arith.addf %parallel_loop3A_388, %parallel_loop3A_385 : vector<16xf32>
      %parallel_loop3A_390 = arith.mulf %parallel_loop3A_389, %parallel_loop3A_353 : vector<16xf32>
      %parallel_loop3A_391 = arith.index_cast %parallel_loop3A_348 : i32 to index
      %parallel_loop3A_392 = arith.constant 32 : index
      %parallel_loop3A_393 = tpu.vector_load %arg13[%parallel_loop3A_391, %parallel_loop3A_392] {strides = array<i32>} : memref<400x128xf32, #tpu.memory_space<vmem>>, vector<16xf32>,
      tpu.vector_store %arg13[%parallel_loop3A_391, %parallel_loop3A_392], %parallel_loop3A_390 {strides = array<i32>} : memref<400x128xf32, #tpu.memory_space<vmem>>, vector<16xf32>,
      %parallel_loop3A_394 = tpu.iota {dimensions = array<i32: 0>} : vector<16xi32>
      %parallel_loop3A_395 = arith.constant 48 : i32
      %parallel_loop3A_396 = vector.broadcast %parallel_loop3A_395 : i32 to vector<16xi32>
      %parallel_loop3A_397 = arith.addi %parallel_loop3A_394, %parallel_loop3A_396 : vector<16xi32>
      %parallel_loop3A_398 = tpu.vector_load_idx %arg15[%parallel_loop3A_354, %parallel_loop3A_397] : memref<160x64xf32, #tpu.memory_space<vmem>>[vector<16xi32>, vector<16xi32>], vector<16xf32>,
      %parallel_loop3A_399 = arith.index_cast %parallel_loop3A_348 : i32 to index
      %parallel_loop3A_400 = arith.constant 48 : index
      %parallel_loop3A_401 = tpu.vector_load %arg13[%parallel_loop3A_399, %parallel_loop3A_400] {strides = array<i32>} : memref<400x128xf32, #tpu.memory_space<vmem>>, vector<16xf32>,
      %parallel_loop3A_402 = arith.addf %parallel_loop3A_401, %parallel_loop3A_398 : vector<16xf32>
      %parallel_loop3A_403 = arith.mulf %parallel_loop3A_402, %parallel_loop3A_353 : vector<16xf32>
      %parallel_loop3A_404 = arith.index_cast %parallel_loop3A_348 : i32 to index
      %parallel_loop3A_405 = arith.constant 48 : index
      %parallel_loop3A_406 = tpu.vector_load %arg13[%parallel_loop3A_404, %parallel_loop3A_405] {strides = array<i32>} : memref<400x128xf32, #tpu.memory_space<vmem>>, vector<16xf32>,
      tpu.vector_store %arg13[%parallel_loop3A_404, %parallel_loop3A_405], %parallel_loop3A_403 {strides = array<i32>} : memref<400x128xf32, #tpu.memory_space<vmem>>, vector<16xf32>,
    } {sc.loop_unroll_factor = 4 : i64, sc.parallel_access}
    %add3A_301 = arith.constant 800 : i32
    %add3A_302 = arith.addi %mul3A_2, %add3A_301 : i32
    "tpu.region"() ({
      %run_scoped3A = tpu.sem_alloc : memref<!tpu.dma_semaphore, #tpu.memory_space<semaphore_mem>>
      %dma_start3A_348 = arith.constant 0 : i32
      %dma_start3A_349 = arith.constant 0 : i32
      %dma_start3A_350 = tpu.memref_slice %arg13[%dma_start3A_348, %dma_start3A_349] : memref<400x128xf32, #tpu.memory_space<vmem>> -> memref<400x64xf32, #tpu.memory_space<vmem>>
      %dma_start3A_351 = arith.constant 0 : i32
      %dma_start3A_352 = tpu.memref_slice %arg7[%add3A_302, %dma_start3A_351] : memref<51200x64xf32, #tpu.memory_space<hbm>> -> memref<400x64xf32, #tpu.memory_space<hbm>>
      %dma_start3A_353 = arith.constant 0 : i32
      %dma_start3A_354 = tpu.memref_slice %arg7[%add3A_302, %dma_start3A_353] : memref<51200x64xf32, #tpu.memory_space<hbm>> -> memref<400x64xf32, #tpu.memory_space<hbm>>
      %dma_start3A_355 = arith.constant 0 : i32
      %dma_start3A_356 = arith.constant 0 : i32
      %dma_start3A_357 = tpu.memref_slice %arg13[%dma_start3A_355, %dma_start3A_356] : memref<400x128xf32, #tpu.memory_space<vmem>> -> memref<400x64xf32, #tpu.memory_space<vmem>>
      tpu.enqueue_dma source(%dma_start3A_357 : memref<400x64xf32, #tpu.memory_space<vmem>>) target(%dma_start3A_354 : memref<400x64xf32, #tpu.memory_space<hbm>>) target_semaphore(%run_scoped3A : memref<!tpu.dma_semaphore, #tpu.memory_space<semaphore_mem>>)
      %dma_wait3A_358 = arith.constant 0 : i32
      %dma_wait3A_359 = arith.constant 0 : i32
      %dma_wait3A_360 = tpu.memref_slice %arg13[%dma_wait3A_358, %dma_wait3A_359] : memref<400x128xf32, #tpu.memory_space<vmem>> -> memref<400x64xf32, #tpu.memory_space<vmem>>
      %dma_wait3A_361 = arith.constant 0 : i32
      %dma_wait3A_362 = tpu.memref_slice %arg7[%add3A_302, %dma_wait3A_361] : memref<51200x64xf32, #tpu.memory_space<hbm>> -> memref<400x64xf32, #tpu.memory_space<hbm>>
      %dma_wait3A_363 = arith.constant 0 : i32
      %dma_wait3A_364 = tpu.memref_slice %arg7[%add3A_302, %dma_wait3A_363] : memref<51200x64xf32, #tpu.memory_space<hbm>> -> memref<400x64xf32, #tpu.memory_space<hbm>>
      %dma_wait3A_365 = arith.constant 0 : i32
      %dma_wait3A_366 = arith.constant 0 : i32
      %dma_wait3A_367 = tpu.memref_slice %arg13[%dma_wait3A_365, %dma_wait3A_366] : memref<400x128xf32, #tpu.memory_space<vmem>> -> memref<400x64xf32, #tpu.memory_space<vmem>>
      tpu.wait_dma2 semaphore(%run_scoped3A : memref<!tpu.dma_semaphore, #tpu.memory_space<semaphore_mem>>) src(%dma_wait3A_367 : memref<400x64xf32, #tpu.memory_space<vmem>>) dst(%dma_wait3A_364 : memref<400x64xf32, #tpu.memory_space<hbm>>)
      tpu.yield
    }) : () -> ()
    %dma_wait3A_303 = arith.constant 0 : i32
    %dma_wait3A_304 = arith.constant 0 : i32
    %dma_wait3A_305 = tpu.memref_slice %arg14[%dma_wait3A_303, %dma_wait3A_304] : memref<400x128xf32, #tpu.memory_space<vmem>> -> memref<80x128xf32, #tpu.memory_space<vmem>>
    %dma_wait3A_306 = arith.constant 1200 : i32
    %dma_wait3A_307 = tpu.memref_slice %arg9[%dma_wait3A_306] : memref<1600xi32, #tpu.memory_space<vmem>> -> memref<80xi32, #tpu.memory_space<vmem>>
    %dma_wait3A_308 = arith.constant 0 : i32
    %dma_wait3A_309 = arith.constant 0 : i32
    %dma_wait3A_310 = tpu.memref_slice %arg5[%dma_wait3A_308, %dma_wait3A_309] : memref<1000000x128xf32, #tpu.memory_space<hbm>> -> memref<1000000x128xf32, #tpu.memory_space<hbm>>
    tpu.wait_indirect_dma semaphore(%arg16 : memref<!tpu.dma_semaphore, #tpu.memory_space<semaphore_mem>>) src(%dma_wait3A_310 : memref<1000000x128xf32, #tpu.memory_space<hbm>>) dst(%dma_wait3A_305 : memref<80x128xf32, #tpu.memory_space<vmem>>)
    %dma_wait3A_311 = arith.constant 80 : i32
    %dma_wait3A_312 = arith.constant 0 : i32
    %dma_wait3A_313 = tpu.memref_slice %arg14[%dma_wait3A_311, %dma_wait3A_312] : memref<400x128xf32, #tpu.memory_space<vmem>> -> memref<80x128xf32, #tpu.memory_space<vmem>>
    %dma_wait3A_314 = arith.constant 1280 : i32
    %dma_wait3A_315 = tpu.memref_slice %arg9[%dma_wait3A_314] : memref<1600xi32, #tpu.memory_space<vmem>> -> memref<80xi32, #tpu.memory_space<vmem>>
    %dma_wait3A_316 = arith.constant 0 : i32
    %dma_wait3A_317 = arith.constant 0 : i32
    %dma_wait3A_318 = tpu.memref_slice %arg5[%dma_wait3A_316, %dma_wait3A_317] : memref<1000000x128xf32, #tpu.memory_space<hbm>> -> memref<1000000x128xf32, #tpu.memory_space<hbm>>
    tpu.wait_indirect_dma semaphore(%arg16 : memref<!tpu.dma_semaphore, #tpu.memory_space<semaphore_mem>>) src(%dma_wait3A_318 : memref<1000000x128xf32, #tpu.memory_space<hbm>>) dst(%dma_wait3A_313 : memref<80x128xf32, #tpu.memory_space<vmem>>)
    %dma_wait3A_319 = arith.constant 160 : i32
    %dma_wait3A_320 = arith.constant 0 : i32
    %dma_wait3A_321 = tpu.memref_slice %arg14[%dma_wait3A_319, %dma_wait3A_320] : memref<400x128xf32, #tpu.memory_space<vmem>> -> memref<80x128xf32, #tpu.memory_space<vmem>>
    %dma_wait3A_322 = arith.constant 1360 : i32
    %dma_wait3A_323 = tpu.memref_slice %arg9[%dma_wait3A_322] : memref<1600xi32, #tpu.memory_space<vmem>> -> memref<80xi32, #tpu.memory_space<vmem>>
    %dma_wait3A_324 = arith.constant 0 : i32
    %dma_wait3A_325 = arith.constant 0 : i32
    %dma_wait3A_326 = tpu.memref_slice %arg5[%dma_wait3A_324, %dma_wait3A_325] : memref<1000000x128xf32, #tpu.memory_space<hbm>> -> memref<1000000x128xf32, #tpu.memory_space<hbm>>
    tpu.wait_indirect_dma semaphore(%arg16 : memref<!tpu.dma_semaphore, #tpu.memory_space<semaphore_mem>>) src(%dma_wait3A_326 : memref<1000000x128xf32, #tpu.memory_space<hbm>>) dst(%dma_wait3A_321 : memref<80x128xf32, #tpu.memory_space<vmem>>)
    %dma_wait3A_327 = arith.constant 240 : i32
    %dma_wait3A_328 = arith.constant 0 : i32
    %dma_wait3A_329 = tpu.memref_slice %arg14[%dma_wait3A_327, %dma_wait3A_328] : memref<400x128xf32, #tpu.memory_space<vmem>> -> memref<80x128xf32, #tpu.memory_space<vmem>>
    %dma_wait3A_330 = arith.constant 1440 : i32
    %dma_wait3A_331 = tpu.memref_slice %arg9[%dma_wait3A_330] : memref<1600xi32, #tpu.memory_space<vmem>> -> memref<80xi32, #tpu.memory_space<vmem>>
    %dma_wait3A_332 = arith.constant 0 : i32
    %dma_wait3A_333 = arith.constant 0 : i32
    %dma_wait3A_334 = tpu.memref_slice %arg5[%dma_wait3A_332, %dma_wait3A_333] : memref<1000000x128xf32, #tpu.memory_space<hbm>> -> memref<1000000x128xf32, #tpu.memory_space<hbm>>
    tpu.wait_indirect_dma semaphore(%arg16 : memref<!tpu.dma_semaphore, #tpu.memory_space<semaphore_mem>>) src(%dma_wait3A_334 : memref<1000000x128xf32, #tpu.memory_space<hbm>>) dst(%dma_wait3A_329 : memref<80x128xf32, #tpu.memory_space<vmem>>)
    %dma_wait3A_335 = arith.constant 320 : i32
    %dma_wait3A_336 = arith.constant 0 : i32
    %dma_wait3A_337 = tpu.memref_slice %arg14[%dma_wait3A_335, %dma_wait3A_336] : memref<400x128xf32, #tpu.memory_space<vmem>> -> memref<80x128xf32, #tpu.memory_space<vmem>>
    %dma_wait3A_338 = arith.constant 1520 : i32
    %dma_wait3A_339 = tpu.memref_slice %arg9[%dma_wait3A_338] : memref<1600xi32, #tpu.memory_space<vmem>> -> memref<80xi32, #tpu.memory_space<vmem>>
    %dma_wait3A_340 = arith.constant 0 : i32
    %dma_wait3A_341 = arith.constant 0 : i32
    %dma_wait3A_342 = tpu.memref_slice %arg5[%dma_wait3A_340, %dma_wait3A_341] : memref<1000000x128xf32, #tpu.memory_space<hbm>> -> memref<1000000x128xf32, #tpu.memory_space<hbm>>
    tpu.wait_indirect_dma semaphore(%arg16 : memref<!tpu.dma_semaphore, #tpu.memory_space<semaphore_mem>>) src(%dma_wait3A_342 : memref<1000000x128xf32, #tpu.memory_space<hbm>>) dst(%dma_wait3A_337 : memref<80x128xf32, #tpu.memory_space<vmem>>)
    %parallel_loop3A_343 = arith.constant 0 : i32
    %parallel_loop3A_344 = arith.constant 400 : i32
    %parallel_loop3A_345 = arith.constant 1 : i32
    scf.for %parallel_loop3A_348 = %parallel_loop3A_343 to %parallel_loop3A_344 step %parallel_loop3A_345  : i32 {
      %parallel_loop3A_349 = arith.constant 1200 : i32
      %parallel_loop3A_350 = vector.broadcast %parallel_loop3A_349 : i32 to vector<16xi32>
      %parallel_loop3A_351 = vector.broadcast %parallel_loop3A_348 : i32 to vector<16xi32>
      %parallel_loop3A_352 = arith.addi %parallel_loop3A_350, %parallel_loop3A_351 : vector<16xi32>
      %parallel_loop3A_353 = tpu.vector_load_idx %arg12[%parallel_loop3A_352] : memref<1600xf32, #tpu.memory_space<vmem>>[vector<16xi32>], vector<16xf32>,
      %parallel_loop3A_354 = tpu.vector_load_idx %arg10[%parallel_loop3A_352] : memref<1600xi32, #tpu.memory_space<vmem>>[vector<16xi32>], vector<16xi32>,
      %parallel_loop3A_355 = tpu.iota {dimensions = array<i32: 0>} : vector<16xi32>
      %parallel_loop3A_356 = arith.constant 0 : i32
      %parallel_loop3A_357 = vector.broadcast %parallel_loop3A_356 : i32 to vector<16xi32>
      %parallel_loop3A_358 = arith.addi %parallel_loop3A_355, %parallel_loop3A_357 : vector<16xi32>
      %parallel_loop3A_359 = tpu.vector_load_idx %arg15[%parallel_loop3A_354, %parallel_loop3A_358] : memref<160x64xf32, #tpu.memory_space<vmem>>[vector<16xi32>, vector<16xi32>], vector<16xf32>,
      %parallel_loop3A_360 = arith.index_cast %parallel_loop3A_348 : i32 to index
      %parallel_loop3A_361 = arith.constant 0 : index
      %parallel_loop3A_362 = tpu.vector_load %arg14[%parallel_loop3A_360, %parallel_loop3A_361] {strides = array<i32>} : memref<400x128xf32, #tpu.memory_space<vmem>>, vector<16xf32>,
      %parallel_loop3A_363 = arith.addf %parallel_loop3A_362, %parallel_loop3A_359 : vector<16xf32>
      %parallel_loop3A_364 = arith.mulf %parallel_loop3A_363, %parallel_loop3A_353 : vector<16xf32>
      %parallel_loop3A_365 = arith.index_cast %parallel_loop3A_348 : i32 to index
      %parallel_loop3A_366 = arith.constant 0 : index
      %parallel_loop3A_367 = tpu.vector_load %arg14[%parallel_loop3A_365, %parallel_loop3A_366] {strides = array<i32>} : memref<400x128xf32, #tpu.memory_space<vmem>>, vector<16xf32>,
      tpu.vector_store %arg14[%parallel_loop3A_365, %parallel_loop3A_366], %parallel_loop3A_364 {strides = array<i32>} : memref<400x128xf32, #tpu.memory_space<vmem>>, vector<16xf32>,
      %parallel_loop3A_368 = tpu.iota {dimensions = array<i32: 0>} : vector<16xi32>
      %parallel_loop3A_369 = arith.constant 16 : i32
      %parallel_loop3A_370 = vector.broadcast %parallel_loop3A_369 : i32 to vector<16xi32>
      %parallel_loop3A_371 = arith.addi %parallel_loop3A_368, %parallel_loop3A_370 : vector<16xi32>
      %parallel_loop3A_372 = tpu.vector_load_idx %arg15[%parallel_loop3A_354, %parallel_loop3A_371] : memref<160x64xf32, #tpu.memory_space<vmem>>[vector<16xi32>, vector<16xi32>], vector<16xf32>,
      %parallel_loop3A_373 = arith.index_cast %parallel_loop3A_348 : i32 to index
      %parallel_loop3A_374 = arith.constant 16 : index
      %parallel_loop3A_375 = tpu.vector_load %arg14[%parallel_loop3A_373, %parallel_loop3A_374] {strides = array<i32>} : memref<400x128xf32, #tpu.memory_space<vmem>>, vector<16xf32>,
      %parallel_loop3A_376 = arith.addf %parallel_loop3A_375, %parallel_loop3A_372 : vector<16xf32>
      %parallel_loop3A_377 = arith.mulf %parallel_loop3A_376, %parallel_loop3A_353 : vector<16xf32>
      %parallel_loop3A_378 = arith.index_cast %parallel_loop3A_348 : i32 to index
      %parallel_loop3A_379 = arith.constant 16 : index
      %parallel_loop3A_380 = tpu.vector_load %arg14[%parallel_loop3A_378, %parallel_loop3A_379] {strides = array<i32>} : memref<400x128xf32, #tpu.memory_space<vmem>>, vector<16xf32>,
      tpu.vector_store %arg14[%parallel_loop3A_378, %parallel_loop3A_379], %parallel_loop3A_377 {strides = array<i32>} : memref<400x128xf32, #tpu.memory_space<vmem>>, vector<16xf32>,
      %parallel_loop3A_381 = tpu.iota {dimensions = array<i32: 0>} : vector<16xi32>
      %parallel_loop3A_382 = arith.constant 32 : i32
      %parallel_loop3A_383 = vector.broadcast %parallel_loop3A_382 : i32 to vector<16xi32>
      %parallel_loop3A_384 = arith.addi %parallel_loop3A_381, %parallel_loop3A_383 : vector<16xi32>
      %parallel_loop3A_385 = tpu.vector_load_idx %arg15[%parallel_loop3A_354, %parallel_loop3A_384] : memref<160x64xf32, #tpu.memory_space<vmem>>[vector<16xi32>, vector<16xi32>], vector<16xf32>,
      %parallel_loop3A_386 = arith.index_cast %parallel_loop3A_348 : i32 to index
      %parallel_loop3A_387 = arith.constant 32 : index
      %parallel_loop3A_388 = tpu.vector_load %arg14[%parallel_loop3A_386, %parallel_loop3A_387] {strides = array<i32>} : memref<400x128xf32, #tpu.memory_space<vmem>>, vector<16xf32>,
      %parallel_loop3A_389 = arith.addf %parallel_loop3A_388, %parallel_loop3A_385 : vector<16xf32>
      %parallel_loop3A_390 = arith.mulf %parallel_loop3A_389, %parallel_loop3A_353 : vector<16xf32>
      %parallel_loop3A_391 = arith.index_cast %parallel_loop3A_348 : i32 to index
      %parallel_loop3A_392 = arith.constant 32 : index
      %parallel_loop3A_393 = tpu.vector_load %arg14[%parallel_loop3A_391, %parallel_loop3A_392] {strides = array<i32>} : memref<400x128xf32, #tpu.memory_space<vmem>>, vector<16xf32>,
      tpu.vector_store %arg14[%parallel_loop3A_391, %parallel_loop3A_392], %parallel_loop3A_390 {strides = array<i32>} : memref<400x128xf32, #tpu.memory_space<vmem>>, vector<16xf32>,
      %parallel_loop3A_394 = tpu.iota {dimensions = array<i32: 0>} : vector<16xi32>
      %parallel_loop3A_395 = arith.constant 48 : i32
      %parallel_loop3A_396 = vector.broadcast %parallel_loop3A_395 : i32 to vector<16xi32>
      %parallel_loop3A_397 = arith.addi %parallel_loop3A_394, %parallel_loop3A_396 : vector<16xi32>
      %parallel_loop3A_398 = tpu.vector_load_idx %arg15[%parallel_loop3A_354, %parallel_loop3A_397] : memref<160x64xf32, #tpu.memory_space<vmem>>[vector<16xi32>, vector<16xi32>], vector<16xf32>,
      %parallel_loop3A_399 = arith.index_cast %parallel_loop3A_348 : i32 to index
      %parallel_loop3A_400 = arith.constant 48 : index
      %parallel_loop3A_401 = tpu.vector_load %arg14[%parallel_loop3A_399, %parallel_loop3A_400] {strides = array<i32>} : memref<400x128xf32, #tpu.memory_space<vmem>>, vector<16xf32>,
      %parallel_loop3A_402 = arith.addf %parallel_loop3A_401, %parallel_loop3A_398 : vector<16xf32>
      %parallel_loop3A_403 = arith.mulf %parallel_loop3A_402, %parallel_loop3A_353 : vector<16xf32>
      %parallel_loop3A_404 = arith.index_cast %parallel_loop3A_348 : i32 to index
      %parallel_loop3A_405 = arith.constant 48 : index
      %parallel_loop3A_406 = tpu.vector_load %arg14[%parallel_loop3A_404, %parallel_loop3A_405] {strides = array<i32>} : memref<400x128xf32, #tpu.memory_space<vmem>>, vector<16xf32>,
      tpu.vector_store %arg14[%parallel_loop3A_404, %parallel_loop3A_405], %parallel_loop3A_403 {strides = array<i32>} : memref<400x128xf32, #tpu.memory_space<vmem>>, vector<16xf32>,
    } {sc.loop_unroll_factor = 4 : i64, sc.parallel_access}
    %add3A_346 = arith.constant 1200 : i32
    %add3A_347 = arith.addi %mul3A_2, %add3A_346 : i32
    "tpu.region"() ({
      %run_scoped3A = tpu.sem_alloc : memref<!tpu.dma_semaphore, #tpu.memory_space<semaphore_mem>>
      %dma_start3A_348 = arith.constant 0 : i32
      %dma_start3A_349 = arith.constant 0 : i32
      %dma_start3A_350 = tpu.memref_slice %arg14[%dma_start3A_348, %dma_start3A_349] : memref<400x128xf32, #tpu.memory_space<vmem>> -> memref<400x64xf32, #tpu.memory_space<vmem>>
      %dma_start3A_351 = arith.constant 0 : i32
      %dma_start3A_352 = tpu.memref_slice %arg7[%add3A_347, %dma_start3A_351] : memref<51200x64xf32, #tpu.memory_space<hbm>> -> memref<400x64xf32, #tpu.memory_space<hbm>>
      %dma_start3A_353 = arith.constant 0 : i32
      %dma_start3A_354 = tpu.memref_slice %arg7[%add3A_347, %dma_start3A_353] : memref<51200x64xf32, #tpu.memory_space<hbm>> -> memref<400x64xf32, #tpu.memory_space<hbm>>
      %dma_start3A_355 = arith.constant 0 : i32
      %dma_start3A_356 = arith.constant 0 : i32
      %dma_start3A_357 = tpu.memref_slice %arg14[%dma_start3A_355, %dma_start3A_356] : memref<400x128xf32, #tpu.memory_space<vmem>> -> memref<400x64xf32, #tpu.memory_space<vmem>>
      tpu.enqueue_dma source(%dma_start3A_357 : memref<400x64xf32, #tpu.memory_space<vmem>>) target(%dma_start3A_354 : memref<400x64xf32, #tpu.memory_space<hbm>>) target_semaphore(%run_scoped3A : memref<!tpu.dma_semaphore, #tpu.memory_space<semaphore_mem>>)
      %dma_wait3A_358 = arith.constant 0 : i32
      %dma_wait3A_359 = arith.constant 0 : i32
      %dma_wait3A_360 = tpu.memref_slice %arg14[%dma_wait3A_358, %dma_wait3A_359] : memref<400x128xf32, #tpu.memory_space<vmem>> -> memref<400x64xf32, #tpu.memory_space<vmem>>
      %dma_wait3A_361 = arith.constant 0 : i32
      %dma_wait3A_362 = tpu.memref_slice %arg7[%add3A_347, %dma_wait3A_361] : memref<51200x64xf32, #tpu.memory_space<hbm>> -> memref<400x64xf32, #tpu.memory_space<hbm>>
      %dma_wait3A_363 = arith.constant 0 : i32
      %dma_wait3A_364 = tpu.memref_slice %arg7[%add3A_347, %dma_wait3A_363] : memref<51200x64xf32, #tpu.memory_space<hbm>> -> memref<400x64xf32, #tpu.memory_space<hbm>>
      %dma_wait3A_365 = arith.constant 0 : i32
      %dma_wait3A_366 = arith.constant 0 : i32
      %dma_wait3A_367 = tpu.memref_slice %arg14[%dma_wait3A_365, %dma_wait3A_366] : memref<400x128xf32, #tpu.memory_space<vmem>> -> memref<400x64xf32, #tpu.memory_space<vmem>>
      tpu.wait_dma2 semaphore(%run_scoped3A : memref<!tpu.dma_semaphore, #tpu.memory_space<semaphore_mem>>) src(%dma_wait3A_367 : memref<400x64xf32, #tpu.memory_space<vmem>>) dst(%dma_wait3A_364 : memref<400x64xf32, #tpu.memory_space<hbm>>)
      tpu.yield
    }) : () -> ()
    "tpu.region"() ({
      %run_scoped3A = tpu.sem_alloc : memref<!tpu.dma_semaphore, #tpu.memory_space<semaphore_mem>>
      %dma_start3A_348 = tpu.memref_slice %arg8[%mul3A_2] : memref<51200xf32, #tpu.memory_space<hbm>> -> memref<1600xf32, #tpu.memory_space<hbm>>
      %dma_start3A_349 = tpu.memref_slice %arg8[%mul3A_2] : memref<51200xf32, #tpu.memory_space<hbm>> -> memref<1600xf32, #tpu.memory_space<hbm>>
      tpu.enqueue_dma source(%arg12 : memref<1600xf32, #tpu.memory_space<vmem>>) target(%dma_start3A_349 : memref<1600xf32, #tpu.memory_space<hbm>>) target_semaphore(%run_scoped3A : memref<!tpu.dma_semaphore, #tpu.memory_space<semaphore_mem>>)
      %dma_wait3A_350 = tpu.memref_slice %arg8[%mul3A_2] : memref<51200xf32, #tpu.memory_space<hbm>> -> memref<1600xf32, #tpu.memory_space<hbm>>
      %dma_wait3A_351 = tpu.memref_slice %arg8[%mul3A_2] : memref<51200xf32, #tpu.memory_space<hbm>> -> memref<1600xf32, #tpu.memory_space<hbm>>
      tpu.wait_dma2 semaphore(%run_scoped3A : memref<!tpu.dma_semaphore, #tpu.memory_space<semaphore_mem>>) src(%arg12 : memref<1600xf32, #tpu.memory_space<vmem>>) dst(%dma_wait3A_351 : memref<1600xf32, #tpu.memory_space<hbm>>)
      tpu.yield
    }) : () -> ()
    return
  }
}

</mosaic_0001>

<sc_bundles>
// kernel: kernel.3.cloned.1.call-start
scs
__scs_entry_jumppad:
0x0: {  	(pc) =	sbr.rel $0x88, $3  }
0x1: {  	(tag) =	ssettag $0x0;
	lr =	simm.s32 $0x1  }
0x2: {  	[smem:$0x3F99] =	sst lr;
	_ =	strace $0xD0000000  }
0x3: {  	_ = 	snop  }
0x4: {  	_ = 	snop  }
0x5: {  	_ = 	snop  }
0x6: {  	_ = 	snop  }
0x7: {  	_ = 	snop  }
__scs_overlays_trampoline_lowered:
0x8: {  	[smem:$0x3FA8] =	sst s0  }
0x9: {  	[smem:$0x3FA9] =	sst s1  }
0xa: {  	[smem:$0x3FAA] =	sst s2  }
0xb: {  	[smem:$0x3FAB] =	sst s3  }
0xc: {  	[smem:$0x3FAC] =	sst s4  }
0xd: {  	[smem:$0x3FAD] =	sst s5  }
0xe: {  	[smem:$0x3FAE] =	sst s6  }
0xf: {  	[smem:$0x3FAF] =	sst s7  }
0x10: {  	[smem:$0x3FB0] =	sst s8  }
0x11: {  	[smem:$0x3FB1] =	sst s9;
	s0 =	simm.s32 @!p0 $0x0  }
0x12: {  	s1 =	sld [smem:$0x3F97];
	s0 =	simm.s32 @p0 $0x1  }
0x13: {  	[smem:$0x3FB2] =	sst s0;
	s0 =	simm.s32 @!p1 $0x0  }
0x14: {  	s2 =	sld [smem:$0x3F96];
	s0 =	simm.s32 @p1 $0x1  }
0x15: {  	[smem:$0x3FB3] =	sst s0;
	s0 =	simm.s32 @!p2 $0x0  }
0x16: {  	s3 =	sld [smem:$0x3FDB];
	s0 =	simm.s32 @p2 $0x1  }
0x17: {  	s4 =	simm.s32 $0x1BF5;
	[smem:$0x3FB5] =	sst s0  }
0x18: {  	s0 =	sld [smem:$0x3F98];
	_ =	swait.ge [sflag:s4], $0x0  }
0x19: {  	s7 =	sld [smem:$0x3F99]  }
0x1a: {  	s8 =	sadd.s32 $0xFFFFE003, lr  }
0x1b: {  	s9 =	sadd.s32 $0xFFFFFEF7, lr;
	s5 =	simm.s32 $0xFFFFFFFF;
	p2 =	slt.u32 s8, $0xFFFFF086  }
0x1c: {  	p1 =	slt.u32 s9, $0xF7A;
	s5 =	simm.s32 @!p2 $0x0  }
0x1d: {  	s5 =	simm.s32 @p1 $0x1;
	p0 =	seq.s32 s7, s2  }
0x1e: {  	s7 =	smul.u32 @!p0 $0xF7A, s2;
	p2 =	seq.s32 @!p0 s5, $0x0  }
0x1f: {  	s9 =	smul.u32 $0xF7A, s1;
	s8 =	simm.s32 @!p0 $0x1BF5;
	p2 =	por !p2, p0  }
0x20: {  	[sflag:s8] =	ssyncset.s32 @!p0 $0xFFFFF086;
	s6 =	sadd.s32 @!p0 s3, s7;
	s7 =	simm.s32 @!p0 $0x108  }
0x21: {  	s3 =	sadd.s32 s3, s9;
	s6 =	sadd.s32 @!p0 $0x88, s6;
	s7 =	simm.s32 @p2 $0x1082  }
0x22: {  	[simem:s7], [sflag:s8] =	dma.local @!p0 [hbm:s6], $0xF7A  }
0x23: {  	s9 =	sor.u32 $0xD0000000, s2;
	s6 =	simm.s32 $0x108;
	_ =	swait.ge @!p0 [sflag:s8], $0x0  }
0x24: {  	s3 =	sadd.s32 $0x88, s3;
	s6 =	simm.s32 @!p1 $0x1082;
	[sflag:s4] =	ssyncset.s32 $0xFFFFF086  }
0x25: {  	[simem:s6], [sflag:s4] =	dma.local [hbm:s3], $0xF7A  }
0x26: {  	[smem:$0x3F99] =	sst s1;
	(tag) =	ssettag s2;
	_ =	strace s9  }
0x27: {  	s1 =	sld [smem:$0x3FA9]  }
0x28: {  	s2 =	sld [smem:$0x3FAA]  }
0x29: {  	s4 =	sld [smem:$0x3FAC]  }
0x2a: {  	p0 =	seq.s32 s5, $0x0;
	s5 =	sld [smem:$0x3FAD]  }
0x2b: {  	s6 =	sld [smem:$0x3FAE]  }
0x2c: {  	s7 =	sld [smem:$0x3FAF]  }
0x2d: {  	s3 =	simm.s32 $0x108;
	s8 =	sld [smem:$0x3FB0]  }
0x2e: {  	s3 =	simm.s32 @!p0 $0x1082;
	s9 =	sld [smem:$0x3FB1]  }
0x2f: {  	lr =	sadd.s32 s0, s3;
	s0 =	sld [smem:$0x3FA8]  }
0x30: {  	s3 =	sld [smem:$0x3FAB]  }
0x31: {  	[smem:$0x3FB4] =	sst s10  }
0x32: {  	s10 =	sld [smem:$0x3FB2];
	_ =	sdelay $0x3  }
0x33: {  	p0 =	seq.s32 s10, $0x1;
	s10 =	sld [smem:$0x3FB4];
	_ =	sdelay $0x3  }
0x34: {  	[smem:$0x3FB4] =	sst s10  }
0x35: {  	s10 =	sld [smem:$0x3FB3];
	_ =	sdelay $0x3  }
0x36: {  	p1 =	seq.s32 s10, $0x1;
	s10 =	sld [smem:$0x3FB4];
	_ =	sdelay $0x3  }
0x37: {  	[smem:$0x3FB4] =	sst s10  }
0x38: {  	s10 =	sld [smem:$0x3FB5]  }
0x39: {  	_ = 	snop;
	(pc) =	sbr.ind lr, $3  }
0x3a: {  	_ = 	snop  }
0x3b: {  	_ = 	snop  }
0x3c: {  	p2 =	seq.s32 s10, $0x1;
	s10 =	sld [smem:$0x3FB4]  }
0x3d: {  	_ =	shalt  }
0x3e: {  	_ =	shalt  }
0x3f: {  	_ =	shalt  }
0x40: {  	_ =	shalt  }
0x41: {  	_ =	shalt  }
0x42: {  	_ =	shalt  }
0x43: {  	_ =	shalt  }
0x44: {  	_ =	shalt  }
0x45: {  	_ =	shalt  }
0x46: {  	_ =	shalt  }
0x47: {  	_ =	shalt  }
0x48: {  	_ =	shalt  }
0x49: {  	_ =	shalt  }
0x4a: {  	_ =	shalt  }
0x4b: {  	_ =	shalt  }
0x4c: {  	_ =	shalt  }
0x4d: {  	_ =	shalt  }
0x4e: {  	_ =	shalt  }
0x4f: {  	_ =	shalt  }
0x50: {  	_ =	shalt  }
0x51: {  	_ =	shalt  }
0x52: {  	_ =	shalt  }
0x53: {  	_ =	shalt  }
0x54: {  	_ =	shalt  }
0x55: {  	_ =	shalt  }
0x56: {  	_ =	shalt  }
0x57: {  	_ =	shalt  }
0x58: {  	_ =	shalt  }
0x59: {  	_ =	shalt  }
0x5a: {  	_ =	shalt  }
0x5b: {  	_ =	shalt  }
0x5c: {  	_ =	shalt  }
0x5d: {  	_ =	shalt  }
0x5e: {  	_ =	shalt  }
0x5f: {  	_ =	shalt  }
0x60: {  	_ =	shalt  }
0x61: {  	_ =	shalt  }
0x62: {  	_ =	shalt  }
0x63: {  	_ =	shalt  }
0x64: {  	_ =	shalt  }
0x65: {  	_ =	shalt  }
0x66: {  	_ =	shalt  }
0x67: {  	_ =	shalt  }
0x68: {  	_ =	shalt  }
0x69: {  	_ =	shalt  }
0x6a: {  	_ =	shalt  }
0x6b: {  	_ =	shalt  }
0x6c: {  	_ =	shalt  }
0x6d: {  	_ =	shalt  }
0x6e: {  	_ =	shalt  }
0x6f: {  	_ =	shalt  }
0x70: {  	_ =	shalt  }
0x71: {  	_ =	shalt  }
0x72: {  	_ =	shalt  }
0x73: {  	_ =	shalt  }
0x74: {  	_ =	shalt  }
0x75: {  	_ =	shalt  }
0x76: {  	_ =	shalt  }
0x77: {  	_ =	shalt  }
0x78: {  	_ =	shalt  }
0x79: {  	_ =	shalt  }
0x7a: {  	_ =	shalt  }
0x7b: {  	_ =	shalt  }
0x7c: {  	_ =	shalt  }
0x7d: {  	_ =	shalt  }
0x7e: {  	_ =	shalt  }
0x7f: {  	_ =	shalt  }
0x80: {  	_ =	shalt  }
0x81: {  	_ =	shalt  }
0x82: {  	_ =	shalt  }
0x83: {  	_ =	shalt  }
0x84: {  	_ =	shalt  }
0x85: {  	_ =	shalt  }
0x86: {  	_ =	shalt  }
0x87: {  	_ =	shalt  }
.Lfunc_end0:
.L_simem_size_0:
called_computation_lowered:
.L_overlay_start_0:
0x88: {  	s2 =	sld [smem:$0x3FD9]  }
0x89: {  	s3 =	sld [smem:$0x3FFE];
	_ =	sdelay $0x1  }
0x8a: {  	s1 =	srdreg.scid  }
0x8b: {  	s0 =	sand.u32 $0x1, s1  }
0x8c: {  	s14 =	sshll.u32 s0, $0xA;
	s2 =	sadd.s32 s3, s2  }
0x8d: {  	s2 =	sadd.s32 s2, s14  }
0x8e: {  	[smem:$0x3FC0] =	sst s2  }
0x8f: {  	_ = 	snop  }
0x90: {  	s2 =	sld [smem:$0x3FD0];
	_ =	sdelay $0x2  }
0x91: {  	s4 =	simm.s32 $0xA;
	s5 =	simm.s32 $0x10;
	s15 =	sld [smem:$0x3FC8]  }
0x92: {  	[smem:s5], [sflag:s4] =	dma.local [hbm:s2], $0x1  }
0x93: {  	_ =	swait.eq [sflag:s4], $0x1  }
0x94: {  	[sflag:s4] =	ssyncset.done $0x0  }
0x95: {  	s16 =	sld [smem:$0x10];
	[sflag:s4] =	ssyncadd.s32 $0xFFFFFFFF  }
0x96: {  	s17 =	sld [smem:$0x11];
	(tm) =	ssettm $0x1  }
0x97: {  	s18 =	sld [smem:$0x3FFB];
	_ =	sdelay $0x3  }
0x98: {  	_ =	strace s18  }
0x99: {  	s5 =	sld [smem:$0x3FFC];
	_ =	sdelay $0x3  }
0x9a: {  	_ =	strace s5  }
0x9b: {  	s5 =	sld [smem:$0x3FFD];
	_ =	sdelay $0x3  }
0x9c: {  	_ =	strace s5  }
0x9d: {  	_ =	strace $0x8FFFFFFF  }
0x9e: {  	s19 =	sld [smem:$0x3FDB];
	_ =	sdelay $0x1  }
0x9f: {  	s6 =	simm.s32 $_scs_section_size  }
0xa0: {  	s7 =	simm.s32 $_size__tile_overlayer_lowered;
	s8 =	simm.s32 $_tile_overlayer_lowered  }
0xa1: {  	s22 =	simm.s32 $0x1BFF;
	s21 =	sshll.u32 s8, $0x1;
	s5 =	sadd.s32 s6, s19  }
0xa2: {  	s9 =	simm.s32 $0x0;
	s20 =	sshll.u32 s7, $0x1;
	s7 =	sadd.s32 s21, s5  }
0xa3: {  	[timem:s9], [sflag:s22] =	dma.local [hbm:s7], s20  }
0xa4: {  	_ =	swait.ge [sflag:s22], s20  }
0xa5: {  	s6 =	ssub.s32 $0x0, s20;
	[sflag:s22] =	ssyncset.done $0x0  }
0xa6: {  	[sflag:s22] =	ssyncadd.s32 s6;
	_ =	sdelay $0x1  }
0xa7: {  	s23 =	simm.s32 $0x1B8B  }
0xa8: {  	_ =	swait.ge [sflag:s23], $0x1  }
0xa9: {  	[sflag:s23] =	ssyncset.done $0x0  }
0xaa: {  	s25 =	simm.s32 $0x1B8E;
	s24 =	sld [smem:$0x3FFE];
	[sflag:s23] =	ssyncadd.s32 $0xFFFFFFFF  }
0xab: {  	s26 =	simm.s32 $execute0_lowered;
	[smem:$0x3FD2] =	sst s25  }
0xac: {  	s7 =	sshll.u32 s26, $0x1;
	_ =	strace $0x80000046;
	[dreg:$0x1] =	wrdreg $0xFFFFFFFF  }
0xad: {  	s28 =	simm.s32 $_size_execute0_lowered;
	s5 =	sadd.s32 s5, s7;
	[dreg:$0x0] =	wrdreg $0x0  }
0xae: {  	s7 =	sshll.u32 s28, $0x1;
	[dreg:$0x2] =	wrdreg s5  }
0xaf: {  	[dreg:$0x3] =	wrdreg s7  }
0xb0: {  	[dreg:$0x4] =	wrdreg $0xC0  }
0xb1: {  	_ =	task [dreg:s9], $0x5FFFF  }
0xb2: {  	[dreg:$0x1] =	wrdreg $0xFFFFFFFF  }
0xb3: {  	[dreg:$0x0] =	wrdreg $0x60  }
0xb4: {  	[dreg:$0x2] =	wrdreg s17  }
0xb5: {  	[dreg:$0x3] =	wrdreg s24  }
0xb6: {  	[dreg:$0x4] =	wrdreg s15  }
0xb7: {  	[dreg:$0x5] =	wrdreg s16  }
0xb8: {  	[dreg:$0x6] =	wrdreg $0x9  }
0xb9: {  	_ =	task.clear_ibuf [dreg:s9], $0x7FFFF;
	_ =	strace $0x90000046  }
0xba: {  	s29 =	simm.s32 $0x9;
	_ =	strace $0x80000048  }
0xbb: {  	_ =	swait.ge [sflag:s29], $0x1  }
0xbc: {  	[sflag:s29] =	ssyncadd.s32 $0xFFFFFFFF  }
0xbd: {  	_ =	strace $0x90000048  }
0xbe: {  	_ =	sfence  }
0xbf: {  	s30 =	sld [smem:$0x0];
	_ =	sdelay $0x2  }
0xc0: {  	s31 =	sshll.u32 s1, $0xD;
	s1 =	sshrl.u32 s1, $0x2  }
0xc1: {  	s3 =	sand.u32 $0x4000, s31;
	s1 =	sadd.s32 s1, s30  }
0xc2: {  	s0 =	sor.u32 s3, s0;
	s1 =	sshll.u32 s1, $0x11  }
0xc3: {  	s0 =	sor.u32 s1, s0  }
0xc4: {  	s0 =	sadd.s32 $0x8F2B, s0  }
0xc5: {  	[sflag:s0] =	ssyncadd.remote.s32 $0x1  }
0xc6: {  	_ =	sfence.sel $0xFFFF  }
0xc7: {  	[dreg:$0x0] =	wrdreg $0xFFFFFFFF;
	(pc) =	sbr.abs _section_cstart, $3  }
0xc8: {  	[dreg:$0x1] =	wrdreg $0xFFFFFFFF  }
0xc9: {  	_ =	task.clear_ibuf [dreg:s9], $0x2FFFF;
	_ =	strace $0x9FFFFFFF  }
0xca: {  	(tm) =	ssettm $0x7FFFFFFF  }
0xcb: {  	_ =	shalt  }
tec
execute0_lowered:
.L_overlay_start_1:
0x0: {  	(tag) =	ssettag $0x1  }
0x1: {  	s0 =	rddreg [dreg:$0x0]  }
0x2: {  	s1 =	rddreg [dreg:$0x1]  }
0x3: {  	s2 =	rddreg [dreg:$0x3]  }
0x4: {  	s4 =	srdreg.scid;
	s5 =	stileid.u32  }
0x5: {  	s3 =	simm.s32 $0x0;
	s16 =	simm.s32 $0x2;
	s17 =	simm.s32 $0x50  }
0x6: {  	s28 =	simm.s32 $0xC80;
	s29 =	simm.s32 $0x1A6C0;
	s30 =	simm.s32 $0x1  }
0x7: {  	s31 =	simm.s32 $0x156C0;
	s8 =	sand.u32 $0x1, s4;
	s22 =	sshll.u32 s5, $0x1  }
0x8: {  	[smem:$0x7FF] =	sst s3;
	s4 =	sadd.s32 $0xF45C00, s1;
	s14 =	smul.u32 $0xC80, s5  }
0x9: {  	s9 =	sadd.s32 $0xF45600, s1;
	s6 =	sor.u32 s8, s22;
	s15 =	smul.u32 $0x640, s8  }
0xa: {  	s20 =	simm.s32 $0x17EC0;
	_ =	strace $0x80000047;
	s7 =	smul.u32 $0x640, s6  }
0xb: {  	[dreg:$0x5] =	wrdreg s9;
	s23 =	ssub.s32 $0x2, s8;
	s11 =	smul.u32 $0x19000, s6  }
0xc: {  	s22 =	simm.s32 $0x12EC0;
	s10 =	sshrl.u32 s23, $0x1;
	s24 =	smul.u32 $0x3200, s6  }
0xd: {  	s13 =	ssub.s32 s23, s10;
	s26 =	sadd.s32 s15, s14;
	s7 =	sshrl.u32 s7, $0x3  }
0xe: {  	s25 =	sshrl.u32 s11, $0x3;
	s8 =	sadd.s32 s2, s24;
	s13 =	smax.u32 s13, $0x1  }
0xf: {  	s14 =	sadd.s32 $0x70, s26;
	s15 =	sadd.s32 $0x600, s26;
	s26 =	simm.s32 $0x640  }
0x10: {  	s24 =	simm.s32 $0x1080;
	s1 =	sadd.s32 s7, s1;
	s6 =	sadd.s32 s0, s7  }
0x11: {  	s0 =	sadd.s32 s2, s25;
	s25 =	simm.s32 $0x16C0;
	s2 =	simm.s32 $0x106C0  }
0x12: {  	v0 =	vlaneseq.u32;
	v1 =	vimm.f32 $0.0e+00;
	s7 =	sadd.s32 $0xF43C00, s1;
	s9 =	sadd.s32 $0xC80, s0;
	s10 =	sadd.s32 $0x1900, s0  }
0x13: {  	v2 =	vor.u32 $0x10, v0;
	v3 =	vor.u32 $0x20, v0;
	v4 =	vor.u32 $0x30, v0;
	s11 =	sadd.s32 $0x2580, s0;
	s12 =	sadd.s32 $0x1800, s1;
	s1 =	simm.s32 $0x0  }
.LBB2_1:
0x14: {  	[tilespmem:s3], [sflag:$0x2] =	stream.linear.gather [hbm4b:s6+s3], $0x640, $0x38;
	[tilespmem:$0x1CEC0] =	vst v63  }
0x15: {  	_ =	swait.ge [sflag:s16], $0x640  }
0x16: {  	[sflag:s16] =	ssyncset.done $0x0  }
0x17: {  	[sflag:s16] =	ssyncadd.s32 $0xFFFFF9C0  }
0x18: {  	[tilespmem:s25], [sflag:$0x1] =	stream.indirect.gather [hbm4b:s4+s17], $0x80, s3, s17, $0xb8;
	[tilespmem:$0x1CEC0] =	vst v63  }
0x19: {  	s0 =	simm.s32 $0x3EC0  }
0x1a: {  	[tilespmem:s0], [sflag:$0x1] =	stream.indirect.gather [hbm4b:s4+s17], $0x80, s17, s17, $0xb8;
	[tilespmem:$0x1CEC0] =	vst v63  }
0x1b: {  	s5 =	simm.s32 $0x66C0;
	s25 =	simm.s32 $0xA0  }
0x1c: {  	[tilespmem:s5], [sflag:$0x1] =	stream.indirect.gather [hbm4b:s4+s17], $0x80, s25, s17, $0xb8;
	[tilespmem:$0x1CEC0] =	vst v63  }
0x1d: {  	s18 =	simm.s32 $0xF0;
	s19 =	simm.s32 $0x8EC0  }
0x1e: {  	[tilespmem:s19], [sflag:$0x1] =	stream.indirect.gather [hbm4b:s4+s17], $0x80, s18, s17, $0xb8;
	[tilespmem:$0x1CEC0] =	vst v63  }
0x1f: {  	s21 =	simm.s32 $0x140;
	s23 =	simm.s32 $0xB6C0  }
0x20: {  	[tilespmem:s23], [sflag:$0x1] =	stream.indirect.gather [hbm4b:s4+s17], $0x80, s21, s17, $0xb8;
	[tilespmem:$0x1CEC0] =	vst v63  }
0x21: {  	_ = 	snop  }
0x22: {  	[tilespmem:s26], [sflag:$0x2] =	stream.linear.gather [hbm4b:s7+s3], $0x640, $0x38;
	[tilespmem:$0x1CEC0] =	vst v63  }
0x23: {  	_ =	swait.ge [sflag:s16], $0x640  }
0x24: {  	[sflag:s16] =	ssyncset.done $0x0  }
0x25: {  	[sflag:s16] =	ssyncadd.s32 $0xFFFFF9C0  }
0x26: {  	v6 =	vor.u32 s14, v0;
	s0 =	sadd.s32 $0xFFFFFFD0, s14;
	s18 =	sadd.s32 $0xFFFFFFF0, s14;
	s25 =	rddreg [dreg:$0x2]  }
0x27: {  	v8 =	vmulhi.u32 $0x51EB851F, v6;
	v5 =	vor.u32 s18, v0;
	[tilespmem:s28], [sflag:$0x2] =	stream.linear.gather [hbm4b:s25+s3], $0x400, $0x38;
	[tilespmem:$0x1CEC0] =	vst v63  }
0x28: {  	v16 =	vor.u32 s0, v0;
	s5 =	sadd.s32 $0xFFFFFF90, s14;
	s19 =	sadd.s32 $0xFFFFFFA0, s14;
	v7 =	vmulhi.u32 $0x51EB851F, v5;
	_ =	swait.ge [sflag:s16], $0x400  }
0x29: {  	v23 =	vmulhi.u32 $0x51EB851F, v16;
	v9 =	vor.u32 s5, v0;
	s5 =	sadd.s32 $0xFFFFFFE0, s14;
	v10 =	vor.u32 s19, v0;
	[sflag:s16] =	ssyncset.done $0x0  }
0x2a: {  	v8 =	vshrl.u32 v8, $0x4;
	s21 =	sadd.s32 $0xFFFFFFB0, s14;
	v13 =	vmulhi.u32 $0x51EB851F, v10;
	v7 =	vshrl.u32 v7, $0x4;
	s23 =	rddreg [dreg:$0x5];
	[sflag:s16] =	ssyncadd.s32 $0xFFFFFC00  }
0x2b: {  	v19 =	vmul.u32 $0xFFFFFFCE, v8;
	v11 =	vmulhi.u32 $0x51EB851F, v9;
	v17 =	vor.u32 s5, v0;
	[tilespmem:s29], [sflag:$0x2] =	stream.linear.gather [hbm4b:s23+s3], $0x2800, $0x38;
	[tilespmem:$0x1CEC0] =	vst v63  }
0x2c: {  	v25 =	vmulhi.u32 $0x51EB851F, v17;
	v12 =	vor.u32 s21, v0;
	v13 =	vshrl.u32 v13, $0x4;
	_ =	swait.ge [sflag:s16], $0x2800  }
0x2d: {  	v11 =	vshrl.u32 v11, $0x4;
	v14 =	vmulhi.u32 $0x51EB851F, v12;
	s25 =	sadd.s32 $0xFFFFFFC0, s14;
	[sflag:s16] =	ssyncset.done $0x0  }
0x2e: {  	v6 =	vadd.s32 v6, v19;
	v23 =	vshrl.u32 v23, $0x4;
	v15 =	vor.u32 s25, v0;
	[sflag:s16] =	ssyncadd.s32 $0xFFFFD800  }
0x2f: {  	v25 =	vshrl.u32 v25, $0x4;
	v14 =	vshrl.u32 v14, $0x4;
	v18 =	vmulhi.u32 $0x51EB851F, v15;
	v22 =	vld.idx.msk [tilespmem:v7+s28+$0x0], $0xffff  }
0x30: {  	v55 =	vmul.u32 $0xFFFFFFCE, v23;
	v20 =	vmul.u32 $0xFFFFFFCE, v11;
	v56 =	vmul.u32 $0xFFFFFFCE, v25;
	v8 =	vld.idx.msk [tilespmem:v8+s28+$0x0], $0xffff  }
0x31: {  	v21 =	vmul.u32 $0xFFFFFFCE, v13;
	v24 =	vmul.u32 $0xFFFFFFCE, v14;
	v18 =	vshrl.u32 v18, $0x4;
	s23 =	sadd.s32 $0x80, s14;
	v13 =	vld.idx.msk [tilespmem:v13+s28+$0x0], $0xffff  }
0x32: {  	v9 =	vadd.s32 v9, v20;
	v54 =	vmul.u32 $0xFFFFFFCE, v18;
	s5 =	sadd.s32 $0xFFFFFF90, s23;
	v11 =	vld.idx.msk [tilespmem:v11+s28+$0x0], $0xffff;
	v7 =	vmul.u32 $0xFFFFFFCE, v7  }
0x33: {  	v10 =	vadd.s32 v10, v21;
	v12 =	vadd.s32 v12, v24;
	v19 =	vor.u32 s5, v0  }
0x34: {  	v15 =	vadd.s32 v15, v54;
	v59 =	vmulhi.u32 $0x51EB851F, v19;
	v14 =	vld.idx.msk [tilespmem:v14+s28+$0x0], $0xffff;
	v5 =	vadd.s32 v5, v7  }
0x35: {  	s21 =	sadd.s32 $0xFFFFFFA0, s23;
	v7 =	vadd.s32 v16, v55;
	v16 =	vadd.s32 v17, v56;
	vm0 =	vlt.s32 v5, v22  }
0x36: {  	vm1 =	vlt.s32 v6, v8;
	vm2 =	vlt.s32 v10, v13;
	v10 =	vor.u32 s21, v0  }
0x37: {  	v22 =	vshrl.u32 v59, $0x4;
	v5 =	vsel vm0, $0x3F800000, v1;
	vm0 =	vlt.s32 v9, v11  }
0x38: {  	s25 =	sadd.s32 $0xFFFFFFF0, s23;
	v25 =	vld.idx.msk [tilespmem:v25+s28+$0x0], $0xffff;
	v9 =	vor.u32 s23, v0;
	v60 =	vmulhi.u32 $0x51EB851F, v10;
	v6 =	vsel vm0, $0x3F800000, v1  }
0x39: {  	s0 =	sadd.s32 $0xFFFFFFB0, s23;
	v8 =	vld.idx.msk [tilespmem:v18+s28+$0x0], $0xffff;
	s21 =	sadd.s32 $0xFFFFFFC0, s23;
	vm0 =	vlt.s32 v12, v14;
	v12 =	vor.u32 s25, v0;
	v13 =	vmulhi.u32 $0x51EB851F, v9  }
0x3a: {  	v11 =	vld.idx.msk [tilespmem:v23+s28+$0x0], $0xffff;
	v17 =	vor.u32 s21, v0;
	s21 =	sadd.s32 $0xFFFFFFD0, s23;
	v14 =	vor.u32 s0, v0;
	s25 =	sadd.s32 $0xFFFFFFE0, s23;
	v18 =	vmulhi.u32 $0x51EB851F, v12  }
0x3b: {  	s18 =	simm.s32 $0x10C0;
	v57 =	vor.u32 s21, v0;
	v58 =	vor.u32 s25, v0;
	v26 =	vmulhi.u32 $0x51EB851F, v14  }
0x3c: {  	v62 =	vmulhi.u32 $0x51EB851F, v57;
	[tilespmem:s18+$0xFFFFFFC0] =	vst v6;
	v6 =	vsel vm1, $0x3F800000, v1;
	v13 =	vshrl.u32 v13, $0x4  }
0x3d: {  	vm1 =	vlt.s32 v16, v25;
	[tilespmem:s18+$0x30] =	vst v6;
	v6 =	vsel vm0, $0x3F800000, v1;
	v18 =	vshrl.u32 v18, $0x4  }
0x3e: {  	v61 =	vmul.u32 $0xFFFFFFCE, v13;
	vm4 =	vlt.s32 v15, v8;
	v8 =	vmulhi.u32 $0x51EB851F, v17  }
0x3f: {  	v15 =	vshrl.u32 v26, $0x4;
	vm3 =	vlt.s32 v7, v11;
	v11 =	vshrl.u32 v60, $0x4  }
0x40: {  	v26 =	vshrl.u32 v62, $0x4;
	v7 =	vmul.u32 $0xFFFFFFCE, v22;
	v23 =	vmul.u32 $0xFFFFFFCE, v11  }
0x41: {  	v27 =	vmul.u32 $0xFFFFFFCE, v15;
	v28 =	vshrl.u32 v8, $0x4;
	v8 =	vmulhi.u32 $0x51EB851F, v58;
	v13 =	vld.idx.msk [tilespmem:v13+s28+$0x0], $0xffff  }
0x42: {  	v19 =	vadd.s32 v19, v7;
	v7 =	vmul.u32 $0xFFFFFFCE, v28;
	v23 =	vadd.s32 v10, v23;
	v29 =	vld.idx.msk [tilespmem:v18+s28+$0x0], $0xffff  }
0x43: {  	v22 =	vld.idx.msk [tilespmem:v22+s28+$0x0], $0xffff;
	v10 =	vadd.s32 v14, v27;
	v14 =	vmul.u32 $0xFFFFFFCE, v26;
	v63 =	vshrl.u32 v8, $0x4  }
0x44: {  	[tilespmem:s18+$0x20] =	vst v5;
	v8 =	vadd.s32 v17, v7;
	v5 =	vmul.u32 $0xFFFFFFCE, v63;
	v17 =	vmul.u32 $0xFFFFFFCE, v18;
	v18 =	vld.idx.msk [tilespmem:v11+s28+$0x0], $0xffff  }
0x45: {  	v7 =	vadd.s32 v57, v14;
	v14 =	vsel vm2, $0x3F800000, v1;
	v11 =	vadd.s32 v9, v61  }
0x46: {  	[tilespmem:s18+$0xFFFFFFE0] =	vst v6;
	v5 =	vadd.s32 v58, v5;
	v9 =	vadd.s32 v12, v17;
	v12 =	vld.idx.msk [tilespmem:v15+s28+$0x0], $0xffff;
	v17 =	vsel vm4, $0x3F800000, v1  }
0x47: {  	[tilespmem:s18+$0xFFFFFFD0] =	vst v14;
	v14 =	vsel vm3, $0x3F800000, v1;
	vm0 =	vlt.s32 v11, v13;
	v11 =	vld.idx.msk [tilespmem:v26+s28+$0x0], $0xffff;
	vm2 =	vlt.s32 v9, v29  }
0x48: {  	s19 =	simm.s32 $0x1140;
	[tilespmem:s18+$0xFFFFFFF0] =	vst v17;
	v6 =	vld.idx.msk [tilespmem:v63+s28+$0x0], $0xffff;
	v13 =	vsel vm0, $0x3F800000, v1;
	v15 =	vsel vm2, $0x3F800000, v1;
	vm2 =	vlt.s32 v19, v22  }
0x49: {  	s21 =	simm.s32 $0x8;
	s23 =	sadd.s32 $0x80, s23;
	v9 =	vld.idx.msk [tilespmem:v28+s28+$0x0], $0xffff;
	vm0 =	vlt.s32 v23, v18;
	[tilespmem:s19+$0x20] =	vst v15;
	v15 =	vsel vm1, $0x3F800000, v1;
	v16 =	vsel vm2, $0x3F800000, v1  }
.LBB2_2:
0x4a: {  	s25 =	sadd.s32 $0xFFFFFFA0, s23  }
0x4b: {  	s5 =	sadd.s32 $0xFFFFFFF0, s23;
	v17 =	vor.u32 s23, v0;
	s21 =	sadd.s32 $0x8, s21;
	[tilespmem:s19+$0xFFFFFFC0] =	vst v16;
	v16 =	vsel vm0, $0x3F800000, v1;
	vm0 =	vlt.s32 v10, v12;
	s0 =	sadd.s32 $0xFFFFFFC0, s23  }
0x4c: {  	v10 =	vor.u32 s25, v0;
	s25 =	sadd.s32 $0xFFFFFFB0, s23;
	v18 =	vor.u32 s5, v0;
	v12 =	vmulhi.u32 $0x51EB851F, v17;
	p0 =	slt.u32 s21, $0x58;
	[tilespmem:s19+$0xFFFFFFD0] =	vst v16  }
0x4d: {  	s5 =	sadd.s32 $0xFFFFFF90, s23;
	v19 =	vor.u32 s0, v0;
	s0 =	sadd.s32 $0xFFFFFFD0, s23;
	v16 =	vor.u32 s25, v0;
	s25 =	sadd.s32 $0xFFFFFFE0, s23;
	v20 =	vmulhi.u32 $0x51EB851F, v18;
	[tilespmem:s18+$0x0] =	vst v14  }
0x4e: {  	v14 =	vor.u32 s5, v0;
	v21 =	vor.u32 s0, v0;
	v22 =	vor.u32 s25, v0;
	[tilespmem:s18+$0x10] =	vst v15;
	s18 =	smov.u32 s19  }
0x4f: {  	v15 =	vmulhi.u32 $0x51EB851F, v14;
	v12 =	vshrl.u32 v12, $0x4;
	v20 =	vshrl.u32 v20, $0x4;
	[tilespmem:s19+$0x30] =	vst v13  }
0x50: {  	vm2 =	vlt.s32 v8, v9;
	v13 =	vmulhi.u32 $0x51EB851F, v10;
	v23 =	vmul.u32 $0xFFFFFFCE, v12  }
0x51: {  	vm1 =	vlt.s32 v7, v11;
	v9 =	vmulhi.u32 $0x51EB851F, v16;
	v8 =	vshrl.u32 v15, $0x4  }
0x52: {  	v7 =	vmul.u32 $0xFFFFFFCE, v8;
	v11 =	vshrl.u32 v13, $0x4;
	v13 =	vmulhi.u32 $0x51EB851F, v19  }
0x53: {  	v24 =	vmulhi.u32 $0x51EB851F, v21;
	v9 =	vshrl.u32 v9, $0x4;
	v15 =	vmul.u32 $0xFFFFFFCE, v11  }
0x54: {  	v26 =	vmulhi.u32 $0x51EB851F, v22;
	v25 =	vmul.u32 $0xFFFFFFCE, v9;
	v13 =	vshrl.u32 v13, $0x4;
	v27 =	vld.idx.msk [tilespmem:v20+s28+$0x0], $0xffff  }
0x55: {  	v28 =	vadd.s32 v14, v7;
	v14 =	vshrl.u32 v24, $0x4;
	v7 =	vmul.u32 $0xFFFFFFCE, v13;
	v24 =	vld.idx.msk [tilespmem:v12+s28+$0x0], $0xffff  }
0x56: {  	v26 =	vshrl.u32 v26, $0x4;
	v30 =	vadd.s32 v10, v15;
	v15 =	vmul.u32 $0xFFFFFFCE, v14;
	v29 =	vld.idx.msk [tilespmem:v8+s28+$0x0], $0xffff  }
0x57: {  	v10 =	vadd.s32 v16, v25;
	v16 =	vmul.u32 $0xFFFFFFCE, v20;
	v31 =	vld.idx.msk [tilespmem:v11+s28+$0x0], $0xffff;
	v11 =	vmul.u32 $0xFFFFFFCE, v26  }
0x58: {  	v8 =	vadd.s32 v19, v7;
	v7 =	vadd.s32 v21, v15;
	v15 =	vadd.s32 v17, v23;
	v12 =	vld.idx.msk [tilespmem:v9+s28+$0x0], $0xffff  }
.Ltmp0:
0x59: {  	vm3 =	vlt.s32 v5, v6;
	v9 =	vld.idx.msk [tilespmem:v13+s28+$0x0], $0xffff;
	v13 =	vadd.s32 v18, v16;
	v5 =	vadd.s32 v22, v11;
	(pc) =	sbr.rel @p0 .LBB2_2-.Ltmp0, $4  }
0x5a: {  	v17 =	vsel vm2, $0x3F800000, v1;
	v11 =	vld.idx.msk [tilespmem:v14+s28+$0x0], $0xffff;
	vm4 =	vlt.s32 v13, v27;
	v13 =	vsel vm0, $0x3F800000, v1  }
0x5b: {  	s19 =	sadd.s32 $0x80, s19;
	vm0 =	vlt.s32 v15, v24;
	v14 =	vsel vm1, $0x3F800000, v1;
	v6 =	vld.idx.msk [tilespmem:v26+s28+$0x0], $0xffff;
	v16 =	vsel vm4, $0x3F800000, v1;
	[tilespmem:s18+$0xFFFFFFE0] =	vst v13  }
0x5c: {  	s25 =	simm.s32 $0x0;
	v15 =	vsel vm3, $0x3F800000, v1;
	vm1 =	vlt.s32 v28, v29;
	v13 =	vsel vm0, $0x3F800000, v1;
	[tilespmem:s19+$0x20] =	vst v16  }
0x5d: {  	s23 =	sadd.s32 $0x80, s23;
	v16 =	vsel vm1, $0x3F800000, v1;
	vm0 =	vlt.s32 v30, v31;
	[tilespmem:s18+$0xFFFFFFF0] =	vst v17  }
0x5e: {  	[tilespmem:s19+$0xFFFFFFC0] =	vst v16  }
0x5f: {  	[tilespmem:s18+$0x0] =	vst v14  }
0x60: {  	[tilespmem:s18+$0x10] =	vst v15  }
0x61: {  	v62 =	vsel vm0, $0x3F800000, v1;
	vm13 =	vlt.s32 v10, v12;
	[tilespmem:s19+$0x30] =	vst v13  }
0x62: {  	vm1 =	vlt.s32 v8, v9;
	[tilespmem:s19+$0xFFFFFFD0] =	vst v62;
	v63 =	vsel vm13, $0x3F800000, v1  }
0x63: {  	vm14 =	vlt.s32 v7, v11;
	v7 =	vsel vm1, $0x3F800000, v1;
	[tilespmem:s19+$0xFFFFFFE0] =	vst v63  }
0x64: {  	vm15 =	vlt.s32 v5, v6;
	v5 =	vsel vm14, $0x3F800000, v1;
	[tilespmem:s19+$0xFFFFFFF0] =	vst v7  }
0x65: {  	v6 =	vsel vm15, $0x3F800000, v1;
	[tilespmem:s19+$0x0] =	vst v5  }
0x66: {  	s18 =	smov.u32 s15;
	[tilespmem:s19+$0x10] =	vst v6  }
.LBB2_4:
0x67: {  	v5 =	vor.u32 s18, v0  }
0x68: {  	v6 =	vmulhi.u32 $0x51EB851F, v5;
	_ =	sdelay $0x1  }
0x69: {  	v6 =	vshrl.u32 v6, $0x4;
	_ =	sdelay $0x4  }
0x6a: {  	v7 =	vld.idx.msk [tilespmem:v6+s28+$0x0], $0xffff;
	_ =	sdelay $0x1  }
0x6b: {  	p0 =	sne.s32 s25, $0xC0;
	v6 =	vmul.u32 $0xFFFFFFCE, v6  }
.Ltmp1:
0x6c: {  	_ = 	snop;
	(pc) =	sbr.rel @p0 .LBB2_4-.Ltmp1, $4  }
0x6d: {  	v5 =	vadd.s32 v5, v6  }
0x6e: {  	vm0 =	vlt.s32 v5, v7  }
0x6f: {  	s0 =	sshra.s32 s25, $0x2;
	v5 =	vsel vm0, $0x3F800000, v1  }
0x70: {  	s18 =	sadd.s32 $0x10, s18;
	s25 =	sadd.s32 $0x40, s25;
	[tilespmem:s0+$0x1680] =	vst v5  }
0x71: {  	_ =	swait.ge [sflag:s30], $0x2800  }
0x72: {  	[sflag:s30] =	ssyncset.done $0x0  }
0x73: {  	[sflag:s30] =	ssyncadd.s32 $0xFFFFD800  }
0x74: {  	_ =	swait.ge [sflag:s30], $0x2800  }
0x75: {  	[sflag:s30] =	ssyncset.done $0x0  }
0x76: {  	[sflag:s30] =	ssyncadd.s32 $0xFFFFD800  }
0x77: {  	_ =	swait.ge [sflag:s30], $0x2800  }
0x78: {  	[sflag:s30] =	ssyncset.done $0x0  }
0x79: {  	[sflag:s30] =	ssyncadd.s32 $0xFFFFD800  }
0x7a: {  	_ =	swait.ge [sflag:s30], $0x2800  }
0x7b: {  	[sflag:s30] =	ssyncset.done $0x0  }
0x7c: {  	[sflag:s30] =	ssyncadd.s32 $0xFFFFD800  }
0x7d: {  	_ =	swait.ge [sflag:s30], $0x2800  }
0x7e: {  	s0 =	simm.s32 $0x190;
	[sflag:s30] =	ssyncset.done $0x0  }
0x7f: {  	s5 =	simm.s32 $0xDEC0;
	s18 =	simm.s32 $0x0;
	[sflag:s30] =	ssyncadd.s32 $0xFFFFD800  }
0x80: {  	v5 =	vmov s18;
	[tilespmem:s5], [sflag:$0x1] =	stream.indirect.gather [hbm4b:s4+s17], $0x80, s0, s17, $0xb8;
	[tilespmem:$0x1CEC0] =	vst v63  }
0x81: {  	s19 =	simm.s32 $0x1E0;
	s21 =	simm.s32 $0x1;
	s25 =	simm.s32 $0x2;
	v5 =	vand.u32 $0xFFFFFFFC, v5  }
0x82: {  	v6 =	vbroadcast v5, $0x0;
	v5 =	vmov s21;
	[tilespmem:s2], [sflag:$0x1] =	stream.indirect.gather [hbm4b:s4+s17], $0x80, s19, s17, $0xb8;
	[tilespmem:$0x1CEC0] =	vst v63  }
0x83: {  	s23 =	simm.s32 $0x3;
	s18 =	simm.s32 $0x230;
	v8 =	vmov s25;
	v5 =	vand.u32 $0xFFFFFFFD, v5  }
0x84: {  	v7 =	vmov s23;
	v12 =	vbroadcast v5, $0x0;
	v5 =	vand.u32 $0xFFFFFFFE, v8;
	[tilespmem:s22], [sflag:$0x1] =	stream.indirect.gather [hbm4b:s4+s17], $0x80, s18, s17, $0xb8;
	[tilespmem:$0x1CEC0] =	vst v63  }
0x85: {  	v8 =	vbroadcast v5, $0x0;
	s18 =	simm.s32 $0x280  }
0x86: {  	[tilespmem:s31], [sflag:$0x1] =	stream.indirect.gather [hbm4b:s4+s17], $0x80, s18, s17, $0xb8;
	[tilespmem:$0x1CEC0] =	vst v63  }
0x87: {  	s19 =	simm.s32 $0x2D0  }
0x88: {  	[tilespmem:s20], [sflag:$0x1] =	stream.indirect.gather [hbm4b:s4+s17], $0x80, s19, s17, $0xb8;
	[tilespmem:$0x1CEC0] =	vst v63  }
0x89: {  	v5 =	vld.idx.msk [tilespmem:v7+s26+$0x0], $0xffff  }
0x8a: {  	v10 =	vld.idx.msk [tilespmem:v6+s26+$0x0], $0xffff  }
0x8b: {  	v14 =	vld.idx.msk [tilespmem:v8+s26+$0x0], $0xffff;
	_ =	sdelay $0x2  }
0x8c: {  	v9 =	vshll.u32 v5, $0x6  }
0x8d: {  	v13 =	vld.idx.msk [tilespmem:v12+s26+$0x0], $0xffff;
	v11 =	vshll.u32 v10, $0x6;
	v15 =	vor.u32 v0, v9  }
0x8e: {  	v8 =	vld.idx.msk [tilespmem:v8+s24+$0x0], $0xffff;
	v14 =	vshll.u32 v14, $0x6;
	v16 =	vor.u32 v0, v11  }
0x8f: {  	v5 =	vld.idx.msk [tilespmem:v7+s24+$0x0], $0xffff;
	v17 =	vor.u32 v0, v14  }
0x90: {  	v7 =	vld.idx.msk [tilespmem:v6+s24+$0x0], $0xffff  }
0x91: {  	v6 =	vld.idx.msk [tilespmem:v12+s24+$0x0], $0xffff  }
0x92: {  	v10 =	vshll.u32 v13, $0x6;
	v12 =	vld.idx.msk [tilespmem:v15+s29+$0x0], $0xffff  }
0x93: {  	v13 =	vor.u32 v0, v10;
	v15 =	vld.idx.msk [tilespmem:v16+s29+$0x0], $0xffff  }
0x94: {  	s18 =	simm.s32 $0x17C0;
	v16 =	vld.idx.msk [tilespmem:v17+s29+$0x0], $0xffff  }
0x95: {  	v17 =	vld [tilespmem:s18+$0x0]  }
0x96: {  	v18 =	vld [tilespmem:s18+$0xFFFFFF00]  }
0x97: {  	v21 =	vld [tilespmem:s18+$0xFFFFFF80]  }
0x98: {  	v13 =	vld.idx.msk [tilespmem:v13+s29+$0x0], $0xffff  }
0x99: {  	v22 =	vld [tilespmem:s18+$0x80]  }
0x9a: {  	v28 =	vld [tilespmem:s18+$0xFFFFFF10];
	v16 =	vadd.f32 v17, v16  }
0x9b: {  	v20 =	vld [tilespmem:s18+$0xFFFFFF90];
	v23 =	vor.u32 v2, v14;
	v15 =	vadd.f32 v18, v15  }
0x9c: {  	v19 =	vld [tilespmem:s18+$0x90];
	v18 =	vor.u32 v2, v11;
	v24 =	vmul.f32 v16, v8  }
0x9d: {  	v17 =	vld [tilespmem:s18+$0xFFFFFF20];
	v13 =	vadd.f32 v21, v13;
	v21 =	vor.u32 v2, v10;
	v15 =	vmul.f32 v15, v7  }
0x9e: {  	v12 =	vadd.f32 v22, v12;
	v22 =	vor.u32 v2, v9;
	v16 =	vld [tilespmem:s18+$0xFFFFFFA0];
	[tilespmem:s18+$0x0] =	vst v24  }
0x9f: {  	v13 =	vmul.f32 v13, v6;
	[tilespmem:s18+$0xFFFFFF00] =	vst v15;
	v15 =	vld [tilespmem:s18+$0x10]  }
0xa0: {  	s21 =	simm.s32 $0x4;
	v12 =	vmul.f32 v12, v5;
	v24 =	vld.idx.msk [tilespmem:v23+s29+$0x0], $0xffff  }
0xa1: {  	[tilespmem:s18+$0xFFFFFF80] =	vst v13;
	v13 =	vmov s21;
	v29 =	vld.idx.msk [tilespmem:v18+s29+$0x0], $0xffff  }
0xa2: {  	s25 =	simm.s32 $0x7;
	[tilespmem:s18+$0x80] =	vst v12;
	v26 =	vld.idx.msk [tilespmem:v21+s29+$0x0], $0xffff;
	v12 =	vand.u32 $0xFFFFFFFC, v13  }
0xa3: {  	s23 =	simm.s32 $0x5;
	v25 =	vld.idx.msk [tilespmem:v22+s29+$0x0], $0xffff;
	v23 =	vmov s25;
	v22 =	vbroadcast v12, $0x0  }
0xa4: {  	v18 =	vld [tilespmem:s18+$0xA0];
	v12 =	vmov s23  }
0xa5: {  	v27 =	vor.u32 v3, v14;
	v13 =	vand.u32 $0xFFFFFFFD, v12;
	v12 =	vld [tilespmem:s18+$0xFFFFFF30];
	v15 =	vadd.f32 v15, v24  }
0xa6: {  	v21 =	vbroadcast v13, $0x0;
	v13 =	vld [tilespmem:s18+$0xFFFFFFB0];
	v24 =	vor.u32 v3, v9  }
0xa7: {  	s19 =	simm.s32 $0x17C0;
	s21 =	simm.s32 $0x8;
	s23 =	simm.s32 $0x6;
	v29 =	vadd.f32 v28, v29;
	v28 =	vor.u32 v3, v11;
	v30 =	vmul.f32 v15, v8;
	v15 =	vld [tilespmem:s18+$0xB0]  }
.LBB2_6:
0xa8: {  	p0 =	slt.u32 s21, $0x18C;
	v31 =	vmov s23;
	v32 =	vld.idx.msk [tilespmem:v23+s26+$0x0], $0xffff;
	v20 =	vadd.f32 v20, v26;
	v26 =	vor.u32 v3, v10  }
0xa9: {  	v19 =	vadd.f32 v19, v25;
	v33 =	vld.idx.msk [tilespmem:v22+s26+$0x0], $0xffff;
	v31 =	vand.u32 $0xFFFFFFFE, v31;
	v29 =	vmul.f32 v29, v7;
	[tilespmem:s18+$0x10] =	vst v30  }
0xaa: {  	v25 =	vbroadcast v31, $0x0;
	v20 =	vmul.f32 v20, v6;
	v27 =	vld.idx.msk [tilespmem:v27+s29+$0x0], $0xffff  }
0xab: {  	v19 =	vmul.f32 v19, v5;
	[tilespmem:s18+$0xFFFFFF10] =	vst v29;
	v29 =	vld [tilespmem:s18+$0x20]  }
0xac: {  	v28 =	vld.idx.msk [tilespmem:v28+s29+$0x0], $0xffff;
	[tilespmem:s18+$0xFFFFFF90] =	vst v20  }
0xad: {  	v20 =	vld.idx.msk [tilespmem:v26+s29+$0x0], $0xffff;
	[tilespmem:s18+$0x90] =	vst v19  }
0xae: {  	v19 =	vshll.u32 v32, $0x6;
	v24 =	vld.idx.msk [tilespmem:v24+s29+$0x0], $0xffff  }
0xaf: {  	v30 =	vor.u32 v0, v19;
	v26 =	vld.idx.msk [tilespmem:v21+s26+$0x0], $0xffff  }
0xb0: {  	v14 =	vor.u32 v4, v14;
	v31 =	vld.idx.msk [tilespmem:v25+s26+$0x0], $0xffff;
	v27 =	vadd.f32 v29, v27  }
0xb1: {  	v23 =	vld.idx.msk [tilespmem:v23+s24+$0x0], $0xffff  }
0xb2: {  	v17 =	vadd.f32 v17, v28;
	v28 =	vor.u32 v4, v11;
	v22 =	vld.idx.msk [tilespmem:v22+s24+$0x0], $0xffff;
	v27 =	vmul.f32 v27, v8  }
0xb3: {  	v29 =	vor.u32 v4, v9;
	v16 =	vadd.f32 v16, v20;
	v20 =	vor.u32 v4, v10;
	v21 =	vld.idx.msk [tilespmem:v21+s24+$0x0], $0xffff  }
0xb4: {  	v11 =	vshll.u32 v33, $0x6;
	v17 =	vmul.f32 v17, v7;
	v18 =	vadd.f32 v18, v24;
	v30 =	vld.idx.msk [tilespmem:v30+s29+$0x0], $0xffff;
	[tilespmem:s18+$0x20] =	vst v27  }
0xb5: {  	v9 =	vmovc v19;
	v24 =	vor.u32 v0, v11;
	v10 =	vshll.u32 v26, $0x6;
	v16 =	vmul.f32 v16, v6;
	v26 =	vld.idx.msk [tilespmem:v14+s29+$0x0], $0xffff  }
0xb6: {  	v19 =	vor.u32 v0, v10;
	v14 =	vshll.u32 v31, $0x6;
	v18 =	vmul.f32 v18, v5;
	[tilespmem:s18+$0xFFFFFF20] =	vst v17;
	v17 =	vld [tilespmem:s18+$0x30]  }
0xb7: {  	v27 =	vor.u32 v0, v14;
	v28 =	vld.idx.msk [tilespmem:v28+s29+$0x0], $0xffff;
	[tilespmem:s18+$0xFFFFFFA0] =	vst v16  }
0xb8: {  	v16 =	vld.idx.msk [tilespmem:v20+s29+$0x0], $0xffff;
	[tilespmem:s18+$0xA0] =	vst v18  }
0xb9: {  	v18 =	vld.idx.msk [tilespmem:v29+s29+$0x0], $0xffff  }
0xba: {  	v24 =	vld.idx.msk [tilespmem:v24+s29+$0x0], $0xffff  }
0xbb: {  	v29 =	vld.idx.msk [tilespmem:v19+s29+$0x0], $0xffff;
	v17 =	vadd.f32 v17, v26  }
0xbc: {  	s18 =	sadd.s32 $0x200, s18;
	v19 =	vld.idx.msk [tilespmem:v27+s29+$0x0], $0xffff  }
0xbd: {  	v12 =	vadd.f32 v12, v28;
	v20 =	vld [tilespmem:s18+$0x0];
	v17 =	vmul.f32 v17, v8  }
0xbe: {  	v13 =	vadd.f32 v13, v16;
	v8 =	vld.idx.msk [tilespmem:v25+s24+$0x0], $0xffff  }
0xbf: {  	v12 =	vmul.f32 v12, v7;
	v15 =	vadd.f32 v15, v18;
	v7 =	vmov v22;
	v16 =	vld [tilespmem:s18+$0xFFFFFF00];
	[tilespmem:s19+$0x30] =	vst v17  }
0xc0: {  	v13 =	vmul.f32 v13, v6;
	v6 =	vmov v21;
	v18 =	vld [tilespmem:s18+$0xFFFFFF80]  }
0xc1: {  	v21 =	vld [tilespmem:s18+$0x80];
	[tilespmem:s19+$0xFFFFFF30] =	vst v12;
	v12 =	vmul.f32 v15, v5;
	v5 =	vmov v23  }
0xc2: {  	v22 =	vor.u32 v2, v14;
	v15 =	vld [tilespmem:s18+$0xFFFFFF10];
	v17 =	vadd.f32 v20, v19;
	[tilespmem:s19+$0xFFFFFFB0] =	vst v13  }
0xc3: {  	v20 =	vld [tilespmem:s18+$0xFFFFFF90];
	[tilespmem:s19+$0xB0] =	vst v12;
	s19 =	smov.u32 s18  }
0xc4: {  	v13 =	vor.u32 v2, v11;
	v12 =	vadd.f32 v16, v24;
	v23 =	vmul.f32 v17, v8;
	v19 =	vld [tilespmem:s18+$0x90]  }
0xc5: {  	v24 =	vor.u32 v2, v10;
	v17 =	vld [tilespmem:s18+$0xFFFFFF20];
	v18 =	vadd.f32 v18, v29  }
0xc6: {  	v25 =	vor.u32 v2, v9;
	v12 =	vmul.f32 v12, v7;
	v16 =	vld [tilespmem:s18+$0xFFFFFFA0];
	[tilespmem:s18+$0x0] =	vst v23;
	v21 =	vadd.f32 v21, v30  }
0xc7: {  	v18 =	vmul.f32 v18, v6;
	v27 =	vld.idx.msk [tilespmem:v22+s29+$0x0], $0xffff  }
0xc8: {  	[tilespmem:s18+$0xFFFFFF00] =	vst v12;
	v28 =	vld [tilespmem:s18+$0x10];
	v12 =	vmul.f32 v21, v5  }
0xc9: {  	v21 =	vmov s21;
	v29 =	vld.idx.msk [tilespmem:v13+s29+$0x0], $0xffff;
	[tilespmem:s18+$0xFFFFFF80] =	vst v18  }
0xca: {  	s0 =	sadd.s32 $0x3, s21;
	v13 =	vand.u32 $0xFFFFFFFC, v21;
	v26 =	vld.idx.msk [tilespmem:v24+s29+$0x0], $0xffff;
	[tilespmem:s18+$0x80] =	vst v12  }
.Ltmp2:
0xcb: {  	s5 =	sadd.s32 $0x1, s21;
	v23 =	vmov s0;
	v22 =	vbroadcast v13, $0x0;
	v25 =	vld.idx.msk [tilespmem:v25+s29+$0x0], $0xffff;
	(pc) =	sbr.rel @p0 .LBB2_6-.Ltmp2, $4  }
0xcc: {  	v12 =	vmov s5;
	v18 =	vld [tilespmem:s18+$0xA0]  }
0xcd: {  	v13 =	vand.u32 $0xFFFFFFFD, v12;
	v12 =	vld [tilespmem:s18+$0xFFFFFF30];
	v30 =	vadd.f32 v28, v27;
	v27 =	vor.u32 v3, v14  }
0xce: {  	v24 =	vor.u32 v3, v9;
	v21 =	vbroadcast v13, $0x0;
	v13 =	vld [tilespmem:s18+$0xFFFFFFB0]  }
0xcf: {  	s23 =	sadd.s32 $0x2, s21;
	s21 =	sadd.s32 $0x4, s21;
	v28 =	vor.u32 v3, v11;
	v29 =	vadd.f32 v15, v29;
	v30 =	vmul.f32 v30, v8;
	v15 =	vld [tilespmem:s18+$0xB0]  }
0xd0: {  	_ =	sdelay $0x1  }
0xd1: {  	v31 =	vmov s23  }
0xd2: {  	v31 =	vand.u32 $0xFFFFFFFE, v31  }
0xd3: {  	v32 =	vld.idx.msk [tilespmem:v23+s26+$0x0], $0xffff;
	v31 =	vbroadcast v31, $0x0  }
0xd4: {  	v34 =	vld.idx.msk [tilespmem:v22+s26+$0x0], $0xffff  }
0xd5: {  	v43 =	vld [tilespmem:s18+$0x20]  }
0xd6: {  	v44 =	vld.idx.msk [tilespmem:v21+s26+$0x0], $0xffff  }
0xd7: {  	v22 =	vld.idx.msk [tilespmem:v22+s24+$0x0], $0xffff  }
0xd8: {  	v21 =	vld.idx.msk [tilespmem:v21+s24+$0x0], $0xffff  }
0xd9: {  	v33 =	vld.idx.msk [tilespmem:v31+s26+$0x0], $0xffff  }
0xda: {  	s21 =	sadd.s32 $0x200, s18;
	v61 =	vld [tilespmem:s18+$0x30]  }
0xdb: {  	v36 =	vld [tilespmem:s21+$0x0]  }
0xdc: {  	v29 =	vmul.f32 v29, v7;
	v48 =	vld [tilespmem:s21+$0xFFFFFF00]  }
0xdd: {  	v19 =	vadd.f32 v19, v25;
	v37 =	vld [tilespmem:s21+$0xFFFFFF80];
	v34 =	vshll.u32 v34, $0x6  }
0xde: {  	v38 =	vld [tilespmem:s21+$0x80];
	[tilespmem:s18+$0xFFFFFF10] =	vst v29;
	v29 =	vshll.u32 v32, $0x6;
	v46 =	vor.u32 v0, v34;
	v32 =	vshll.u32 v33, $0x6  }
0xdf: {  	[tilespmem:s18+$0x10] =	vst v30;
	v51 =	vld [tilespmem:s21+$0xFFFFFF10];
	v19 =	vmul.f32 v19, v5;
	v33 =	vor.u32 v0, v32  }
0xe0: {  	v42 =	vld.idx.msk [tilespmem:v27+s29+$0x0], $0xffff;
	v30 =	vshll.u32 v44, $0x6;
	v45 =	vor.u32 v0, v29  }
0xe1: {  	v20 =	vadd.f32 v20, v26;
	[tilespmem:s18+$0x90] =	vst v19;
	v19 =	vld.idx.msk [tilespmem:v23+s24+$0x0], $0xffff;
	v35 =	vor.u32 v0, v30  }
0xe2: {  	v31 =	vld.idx.msk [tilespmem:v31+s24+$0x0], $0xffff  }
0xe3: {  	v20 =	vmul.f32 v20, v6;
	v23 =	vld.idx.msk [tilespmem:v46+s29+$0x0], $0xffff  }
0xe4: {  	v33 =	vld.idx.msk [tilespmem:v33+s29+$0x0], $0xffff  }
0xe5: {  	[tilespmem:s18+$0xFFFFFF90] =	vst v20;
	v20 =	vld.idx.msk [tilespmem:v45+s29+$0x0], $0xffff  }
0xe6: {  	v47 =	vld.idx.msk [tilespmem:v35+s29+$0x0], $0xffff  }
0xe7: {  	v56 =	vld [tilespmem:s21+$0x10];
	v25 =	vadd.f32 v43, v42  }
0xe8: {  	v39 =	vld [tilespmem:s21+$0xFFFFFF90];
	v52 =	vor.u32 v2, v34;
	v23 =	vadd.f32 v48, v23  }
0xe9: {  	v57 =	vld [tilespmem:s21+$0x90];
	v25 =	vmul.f32 v25, v8;
	v49 =	vor.u32 v2, v32;
	v33 =	vadd.f32 v36, v33  }
0xea: {  	v62 =	vld [tilespmem:s21+$0xFFFFFF20];
	v55 =	vor.u32 v2, v29;
	v20 =	vadd.f32 v38, v20;
	v23 =	vmul.f32 v23, v22  }
0xeb: {  	v40 =	vld [tilespmem:s21+$0xFFFFFFA0];
	v54 =	vor.u32 v2, v30;
	[tilespmem:s18+$0x20] =	vst v25;
	v53 =	vadd.f32 v37, v47;
	v50 =	vmul.f32 v33, v31  }
0xec: {  	v41 =	vor.u32 v3, v10;
	v28 =	vld.idx.msk [tilespmem:v28+s29+$0x0], $0xffff;
	v20 =	vmul.f32 v20, v19;
	[tilespmem:s21+$0xFFFFFF00] =	vst v23  }
0xed: {  	v25 =	vmul.f32 v53, v21;
	v58 =	vld.idx.msk [tilespmem:v52+s29+$0x0], $0xffff;
	[tilespmem:s21+$0x0] =	vst v50  }
0xee: {  	[tilespmem:s21+$0x80] =	vst v20;
	v36 =	vld.idx.msk [tilespmem:v49+s29+$0x0], $0xffff  }
0xef: {  	[tilespmem:s21+$0xFFFFFF80] =	vst v25;
	v20 =	vld.idx.msk [tilespmem:v55+s29+$0x0], $0xffff  }
0xf0: {  	v14 =	vor.u32 v4, v14;
	v11 =	vor.u32 v4, v11;
	v27 =	vld.idx.msk [tilespmem:v54+s29+$0x0], $0xffff  }
0xf1: {  	v9 =	vor.u32 v4, v9;
	v26 =	vld.idx.msk [tilespmem:v41+s29+$0x0], $0xffff;
	v63 =	vor.u32 v3, v34;
	v17 =	vadd.f32 v17, v28  }
0xf2: {  	v24 =	vld.idx.msk [tilespmem:v24+s29+$0x0], $0xffff;
	v41 =	vor.u32 v3, v30;
	v42 =	vor.u32 v3, v29;
	v25 =	vadd.f32 v51, v58  }
0xf3: {  	v17 =	vmul.f32 v17, v7;
	v45 =	vld [tilespmem:s21+$0x20];
	v60 =	vor.u32 v3, v32;
	v59 =	vadd.f32 v56, v36  }
0xf4: {  	v43 =	vor.u32 v4, v10;
	v46 =	vld [tilespmem:s21+$0xA0];
	v20 =	vadd.f32 v57, v20;
	v25 =	vmul.f32 v25, v22  }
0xf5: {  	v14 =	vld.idx.msk [tilespmem:v14+s29+$0x0], $0xffff;
	[tilespmem:s18+$0xFFFFFF20] =	vst v17;
	v27 =	vadd.f32 v39, v27;
	v28 =	vmul.f32 v59, v31  }
0xf6: {  	v16 =	vadd.f32 v16, v26;
	v11 =	vld.idx.msk [tilespmem:v11+s29+$0x0], $0xffff;
	v20 =	vmul.f32 v20, v19;
	[tilespmem:s21+$0xFFFFFF10] =	vst v25  }
0xf7: {  	v18 =	vadd.f32 v18, v24;
	v44 =	vmul.f32 v27, v21;
	v25 =	vld.idx.msk [tilespmem:v63+s29+$0x0], $0xffff;
	[tilespmem:s21+$0x10] =	vst v28  }
0xf8: {  	v16 =	vmul.f32 v16, v6;
	[tilespmem:s21+$0x90] =	vst v20;
	v35 =	vld.idx.msk [tilespmem:v60+s29+$0x0], $0xffff  }
0xf9: {  	v18 =	vmul.f32 v18, v5;
	[tilespmem:s21+$0xFFFFFF90] =	vst v44;
	v48 =	vld.idx.msk [tilespmem:v42+s29+$0x0], $0xffff  }
0xfa: {  	[tilespmem:s18+$0xFFFFFFA0] =	vst v16;
	v47 =	vld.idx.msk [tilespmem:v41+s29+$0x0], $0xffff  }
0xfb: {  	[tilespmem:s18+$0xA0] =	vst v18;
	v10 =	vld.idx.msk [tilespmem:v43+s29+$0x0], $0xffff  }
0xfc: {  	v9 =	vld.idx.msk [tilespmem:v9+s29+$0x0], $0xffff;
	v52 =	vor.u32 v4, v34;
	v25 =	vadd.f32 v62, v25  }
0xfd: {  	v53 =	vld [tilespmem:s21+$0xFFFFFFB0];
	v50 =	vor.u32 v4, v32;
	v49 =	vadd.f32 v45, v35  }
0xfe: {  	v29 =	vor.u32 v4, v29;
	v54 =	vld [tilespmem:s21+$0xB0];
	v16 =	vadd.f32 v46, v48;
	v25 =	vmul.f32 v25, v22  }
0xff: {  	v30 =	vor.u32 v4, v30;
	v51 =	vld [tilespmem:s21+$0xFFFFFF30];
	v20 =	vadd.f32 v40, v47;
	v18 =	vmul.f32 v49, v31  }
0x100: {  	v57 =	vld [tilespmem:s21+$0x30];
	v16 =	vmul.f32 v16, v19;
	[tilespmem:s21+$0xFFFFFF20] =	vst v25  }
0x101: {  	v55 =	vmul.f32 v20, v21;
	v58 =	vld.idx.msk [tilespmem:v52+s29+$0x0], $0xffff;
	[tilespmem:s21+$0x20] =	vst v18  }
0x102: {  	v11 =	vadd.f32 v12, v11;
	[tilespmem:s21+$0xA0] =	vst v16;
	v56 =	vld.idx.msk [tilespmem:v50+s29+$0x0], $0xffff  }
0x103: {  	v14 =	vadd.f32 v61, v14;
	v10 =	vadd.f32 v13, v10;
	[tilespmem:s21+$0xFFFFFFA0] =	vst v55;
	v61 =	vld.idx.msk [tilespmem:v29+s29+$0x0], $0xffff  }
0x104: {  	v9 =	vadd.f32 v15, v9;
	v7 =	vmul.f32 v11, v7;
	v59 =	vld.idx.msk [tilespmem:v30+s29+$0x0], $0xffff  }
0x105: {  	v6 =	vmul.f32 v10, v6  }
0x106: {  	v5 =	vmul.f32 v9, v5;
	[tilespmem:s19+$0xFFFFFF30] =	vst v7;
	v7 =	vadd.f32 v51, v58  }
0x107: {  	[tilespmem:s19+$0xFFFFFFB0] =	vst v6;
	v60 =	vmul.f32 v14, v8;
	v62 =	vadd.f32 v57, v56  }
0x108: {  	[tilespmem:s19+$0xB0] =	vst v5;
	v5 =	vmul.f32 v7, v22;
	v7 =	vadd.f32 v54, v61  }
0x109: {  	[tilespmem:s19+$0x30] =	vst v60;
	v63 =	vadd.f32 v53, v59;
	v6 =	vmul.f32 v62, v31  }
0x10a: {  	[tilespmem:s21+$0xFFFFFF30] =	vst v5;
	v5 =	vmul.f32 v7, v19  }
0x10b: {  	[tilespmem:s21+$0x30] =	vst v6;
	v6 =	vmul.f32 v63, v21  }
0x10c: {  	s23 =	sadd.s32 $0x0, s8;
	s25 =	simm.s32 $0x16C0;
	[tilespmem:s21+$0xB0] =	vst v5  }
0x10d: {  	s18 =	simm.s32 $0x16C0;
	s19 =	simm.s32 $0x8;
	[tilespmem:s21+$0xFFFFFFB0] =	vst v6;
	s21 =	simm.s32 $0x1740  }
.LBB2_8:
0x10e: {  	[hbm4b:s23+s3] =	stream.linear.scatter [tilespmem:s18], [sflag:$0x2], $0x40, $0x38;
	[tilespmem:$0x1CEC0] =	vst v63  }
0x10f: {  	s0 =	smov.u32 s19;
	s18 =	smov.u32 s21;
	p0 =	sne.s32 s19, $0xC78  }
.Ltmp3:
0x110: {  	s19 =	sadd.s32 $0x8, s19;
	(pc) =	sbr.rel @p0 .LBB2_8-.Ltmp3, $2  }
0x111: {  	_ =	sdelay $0x2  }
0x112: {  	s21 =	sadd.s32 $0x80, s21;
	s23 =	sadd.s32 s0, s8  }
0x113: {  	[hbm4b:s23+s3] =	stream.linear.scatter [tilespmem:s18], [sflag:$0x2], $0x40, $0x38;
	[tilespmem:$0x1CEC0] =	vst v63  }
0x114: {  	_ =	swait.ge [sflag:s16], $0x6400  }
0x115: {  	[sflag:s16] =	ssyncset.done $0x0  }
0x116: {  	[sflag:s16] =	ssyncadd.s32 $0xFFFF9C00  }
0x117: {  	_ =	swait.ge [sflag:s30], $0x2800  }
0x118: {  	[sflag:s30] =	ssyncset.done $0x0  }
0x119: {  	[sflag:s30] =	ssyncadd.s32 $0xFFFFD800  }
0x11a: {  	_ =	swait.ge [sflag:s30], $0x2800  }
0x11b: {  	[sflag:s30] =	ssyncset.done $0x0  }
0x11c: {  	[sflag:s30] =	ssyncadd.s32 $0xFFFFD800  }
0x11d: {  	_ =	swait.ge [sflag:s30], $0x2800  }
0x11e: {  	[sflag:s30] =	ssyncset.done $0x0  }
0x11f: {  	[sflag:s30] =	ssyncadd.s32 $0xFFFFD800  }
0x120: {  	_ =	swait.ge [sflag:s30], $0x2800  }
0x121: {  	[sflag:s30] =	ssyncset.done $0x0  }
0x122: {  	[sflag:s30] =	ssyncadd.s32 $0xFFFFD800  }
0x123: {  	_ =	swait.ge [sflag:s30], $0x2800  }
0x124: {  	s0 =	simm.s32 $0x320;
	[sflag:s30] =	ssyncset.done $0x0  }
0x125: {  	s18 =	simm.s32 $0x0;
	s19 =	simm.s32 $0x3EC0;
	[sflag:s30] =	ssyncadd.s32 $0xFFFFD800  }
0x126: {  	[tilespmem:s25], [sflag:$0x1] =	stream.indirect.gather [hbm4b:s4+s17], $0x80, s0, s17, $0xb8;
	[tilespmem:$0x1CEC0] =	vst v63  }
0x127: {  	s5 =	simm.s32 $0x370;
	s21 =	simm.s32 $0x3;
	s23 =	simm.s32 $0x1  }
0x128: {  	v5 =	vmov s18;
	v6 =	vmov s21;
	[tilespmem:s19], [sflag:$0x1] =	stream.indirect.gather [hbm4b:s4+s17], $0x80, s5, s17, $0xb8;
	[tilespmem:$0x1CEC0] =	vst v63  }
0x129: {  	v7 =	vmov s23;
	v5 =	vadd.s32 $0x190, v5;
	v6 =	vadd.s32 $0x190, v6;
	s5 =	simm.s32 $0x2  }
0x12a: {  	v7 =	vadd.s32 $0x190, v7;
	v5 =	vand.u32 $0xFFFFFFFC, v5;
	v8 =	vmov s5  }
0x12b: {  	s18 =	simm.s32 $0x66C0;
	v13 =	vbroadcast v6, $0x0;
	v6 =	vand.u32 $0xFFFFFFFD, v7;
	s19 =	simm.s32 $0x3C0;
	v7 =	vadd.s32 $0x190, v8  }
0x12c: {  	v5 =	vbroadcast v5, $0x0;
	[tilespmem:s18], [sflag:$0x1] =	stream.indirect.gather [hbm4b:s4+s17], $0x80, s19, s17, $0xb8;
	v8 =	vbroadcast v6, $0x0;
	v6 =	vand.u32 $0xFFFFFFFE, v7;
	[tilespmem:$0x1CEC0] =	vst v63  }
0x12d: {  	s21 =	simm.s32 $0x8EC0;
	s23 =	simm.s32 $0x410;
	v14 =	vbroadcast v6, $0x0  }
0x12e: {  	[tilespmem:s21], [sflag:$0x1] =	stream.indirect.gather [hbm4b:s4+s17], $0x80, s23, s17, $0xb8;
	[tilespmem:$0x1CEC0] =	vst v63  }
0x12f: {  	s5 =	simm.s32 $0xB6C0;
	s18 =	simm.s32 $0x460  }
0x130: {  	[tilespmem:s5], [sflag:$0x1] =	stream.indirect.gather [hbm4b:s4+s17], $0x80, s18, s17, $0xb8;
	[tilespmem:$0x1CEC0] =	vst v63  }
0x131: {  	v7 =	vld.idx.msk [tilespmem:v13+s26+$0x0], $0xffff  }
0x132: {  	v6 =	vld.idx.msk [tilespmem:v5+s26+$0x0], $0xffff  }
0x133: {  	v12 =	vld.idx.msk [tilespmem:v14+s26+$0x0], $0xffff;
	_ =	sdelay $0x2  }
0x134: {  	s18 =	simm.s32 $0xDFC0;
	v10 =	vld.idx.msk [tilespmem:v8+s26+$0x0], $0xffff;
	v9 =	vshll.u32 v7, $0x6  }
0x135: {  	v22 =	vld [tilespmem:s18+$0xFFFFFF80];
	v16 =	vor.u32 v0, v9  }
0x136: {  	v11 =	vshll.u32 v6, $0x6;
	v6 =	vld.idx.msk [tilespmem:v5+s24+$0x0], $0xffff;
	v12 =	vshll.u32 v12, $0x6  }
0x137: {  	v5 =	vld.idx.msk [tilespmem:v13+s24+$0x0], $0xffff;
	v13 =	vor.u32 v0, v12  }
0x138: {  	v7 =	vld.idx.msk [tilespmem:v8+s24+$0x0], $0xffff  }
0x139: {  	v8 =	vld.idx.msk [tilespmem:v14+s24+$0x0], $0xffff;
	v15 =	vor.u32 v0, v11;
	v10 =	vshll.u32 v10, $0x6  }
0x13a: {  	v17 =	vor.u32 v0, v10;
	v18 =	vld.idx.msk [tilespmem:v16+s29+$0x0], $0xffff  }
0x13b: {  	v16 =	vld [tilespmem:s18+$0x0]  }
0x13c: {  	v13 =	vld.idx.msk [tilespmem:v13+s29+$0x0], $0xffff  }
0x13d: {  	v14 =	vld [tilespmem:s18+$0xFFFFFF00]  }
0x13e: {  	v15 =	vld.idx.msk [tilespmem:v15+s29+$0x0], $0xffff  }
0x13f: {  	v17 =	vld.idx.msk [tilespmem:v17+s29+$0x0], $0xffff  }
0x140: {  	v23 =	vld [tilespmem:s18+$0x80]  }
0x141: {  	v13 =	vadd.f32 v16, v13  }
0x142: {  	v20 =	vld [tilespmem:s18+$0xFFFFFF10]  }
0x143: {  	v21 =	vld [tilespmem:s18+$0xFFFFFF90];
	v24 =	vor.u32 v2, v12;
	v14 =	vadd.f32 v14, v15;
	v13 =	vmul.f32 v13, v8  }
0x144: {  	v19 =	vld [tilespmem:s18+$0x90];
	v25 =	vor.u32 v2, v11;
	v17 =	vadd.f32 v22, v17  }
0x145: {  	v15 =	vld [tilespmem:s18+$0xFFFFFFA0];
	v22 =	vor.u32 v2, v10;
	v14 =	vmul.f32 v14, v6;
	[tilespmem:s18+$0x0] =	vst v13;
	v13 =	vadd.f32 v23, v18  }
0x146: {  	s19 =	simm.s32 $0x4;
	v16 =	vld [tilespmem:s18+$0xFFFFFF20];
	v17 =	vmul.f32 v17, v7;
	v18 =	vor.u32 v2, v9  }
0x147: {  	[tilespmem:s18+$0xFFFFFF00] =	vst v14;
	v14 =	vld [tilespmem:s18+$0x10];
	v23 =	vmov s19;
	v13 =	vmul.f32 v13, v5  }
0x148: {  	s21 =	simm.s32 $0x7;
	[tilespmem:s18+$0xFFFFFF80] =	vst v17;
	v29 =	vld.idx.msk [tilespmem:v24+s29+$0x0], $0xffff;
	v17 =	vadd.s32 $0x190, v23  }
0x149: {  	v26 =	vld.idx.msk [tilespmem:v25+s29+$0x0], $0xffff;
	v23 =	vmov s21;
	[tilespmem:s18+$0x80] =	vst v13;
	v13 =	vand.u32 $0xFFFFFFFC, v17  }
0x14a: {  	s23 =	simm.s32 $0x5;
	v28 =	vld.idx.msk [tilespmem:v22+s29+$0x0], $0xffff;
	v17 =	vadd.s32 $0x190, v23;
	v23 =	vbroadcast v13, $0x0  }
0x14b: {  	v22 =	vmov s23;
	v27 =	vld.idx.msk [tilespmem:v18+s29+$0x0], $0xffff;
	v24 =	vbroadcast v17, $0x0  }
0x14c: {  	v13 =	vadd.s32 $0x190, v22;
	v17 =	vld [tilespmem:s18+$0xA0]  }
0x14d: {  	v30 =	vor.u32 v3, v12;
	v18 =	vand.u32 $0xFFFFFFFD, v13;
	v13 =	vld [tilespmem:s18+$0xFFFFFF30];
	v31 =	vadd.f32 v14, v29  }
0x14e: {  	v25 =	vor.u32 v3, v9;
	s23 =	simm.s32 $0x6;
	s19 =	simm.s32 $0xDFC0;
	s21 =	simm.s32 $0x8;
	v29 =	vor.u32 v3, v11;
	v14 =	vld [tilespmem:s18+$0xFFFFFFB0];
	v22 =	vbroadcast v18, $0x0  }
.LBB2_10:
0x14f: {  	p0 =	slt.u32 s21, $0x18C;
	v18 =	vmov s23;
	v20 =	vadd.f32 v20, v26;
	v26 =	vmul.f32 v31, v8;
	v31 =	vld [tilespmem:s18+$0xB0]  }
0x150: {  	v21 =	vadd.f32 v21, v28;
	v28 =	vor.u32 v3, v10;
	v32 =	vld.idx.msk [tilespmem:v23+s26+$0x0], $0xffff;
	v18 =	vadd.s32 $0x190, v18  }
0x151: {  	v19 =	vadd.f32 v19, v27;
	v18 =	vand.u32 $0xFFFFFFFE, v18;
	v33 =	vld.idx.msk [tilespmem:v24+s26+$0x0], $0xffff;
	v20 =	vmul.f32 v20, v6;
	[tilespmem:s18+$0x10] =	vst v26  }
0x152: {  	v21 =	vmul.f32 v21, v7;
	v18 =	vbroadcast v18, $0x0;
	v26 =	vld.idx.msk [tilespmem:v30+s29+$0x0], $0xffff  }
0x153: {  	v19 =	vmul.f32 v19, v5;
	[tilespmem:s18+$0xFFFFFF10] =	vst v20;
	v20 =	vld [tilespmem:s18+$0x20]  }
0x154: {  	v27 =	vld.idx.msk [tilespmem:v29+s29+$0x0], $0xffff;
	[tilespmem:s18+$0xFFFFFF90] =	vst v21  }
0x155: {  	v21 =	vld.idx.msk [tilespmem:v28+s29+$0x0], $0xffff;
	[tilespmem:s18+$0x90] =	vst v19  }
0x156: {  	v19 =	vshll.u32 v32, $0x6;
	v25 =	vld.idx.msk [tilespmem:v25+s29+$0x0], $0xffff  }
0x157: {  	v28 =	vor.u32 v0, v19;
	v29 =	vld.idx.msk [tilespmem:v22+s26+$0x0], $0xffff  }
0x158: {  	v12 =	vor.u32 v4, v12;
	v30 =	vld.idx.msk [tilespmem:v18+s26+$0x0], $0xffff;
	v20 =	vadd.f32 v20, v26  }
0x159: {  	v23 =	vld.idx.msk [tilespmem:v23+s24+$0x0], $0xffff  }
0x15a: {  	v26 =	vor.u32 v4, v11;
	v16 =	vadd.f32 v16, v27;
	v24 =	vld.idx.msk [tilespmem:v24+s24+$0x0], $0xffff;
	v32 =	vmul.f32 v20, v8  }
0x15b: {  	v15 =	vadd.f32 v15, v21;
	v21 =	vor.u32 v4, v10;
	v20 =	vld.idx.msk [tilespmem:v22+s24+$0x0], $0xffff;
	v22 =	vor.u32 v4, v9  }
0x15c: {  	v9 =	vshll.u32 v33, $0x6;
	v16 =	vmul.f32 v16, v6;
	v17 =	vadd.f32 v17, v25;
	v27 =	vld.idx.msk [tilespmem:v28+s29+$0x0], $0xffff;
	[tilespmem:s18+$0x20] =	vst v32  }
0x15d: {  	v11 =	vmovc v19;
	v10 =	vshll.u32 v29, $0x6;
	v25 =	vor.u32 v0, v9;
	v15 =	vmul.f32 v15, v7;
	v28 =	vld.idx.msk [tilespmem:v12+s29+$0x0], $0xffff  }
0x15e: {  	v19 =	vor.u32 v0, v10;
	v12 =	vshll.u32 v30, $0x6;
	v17 =	vmul.f32 v17, v5;
	[tilespmem:s18+$0xFFFFFF20] =	vst v16;
	v16 =	vld [tilespmem:s18+$0x30]  }
0x15f: {  	v29 =	vor.u32 v0, v12;
	v26 =	vld.idx.msk [tilespmem:v26+s29+$0x0], $0xffff;
	[tilespmem:s18+$0xFFFFFFA0] =	vst v15  }
0x160: {  	v15 =	vld.idx.msk [tilespmem:v21+s29+$0x0], $0xffff;
	[tilespmem:s18+$0xA0] =	vst v17  }
0x161: {  	v17 =	vld.idx.msk [tilespmem:v22+s29+$0x0], $0xffff  }
0x162: {  	v22 =	vld.idx.msk [tilespmem:v25+s29+$0x0], $0xffff  }
0x163: {  	v25 =	vld.idx.msk [tilespmem:v19+s29+$0x0], $0xffff;
	v16 =	vadd.f32 v16, v28  }
0x164: {  	s18 =	sadd.s32 $0x200, s18;
	v19 =	vld.idx.msk [tilespmem:v29+s29+$0x0], $0xffff  }
0x165: {  	v13 =	vadd.f32 v13, v26;
	v21 =	vld [tilespmem:s18+$0x0];
	v16 =	vmul.f32 v16, v8  }
0x166: {  	v14 =	vadd.f32 v14, v15;
	v8 =	vld.idx.msk [tilespmem:v18+s24+$0x0], $0xffff  }
0x167: {  	v13 =	vmul.f32 v13, v6;
	v6 =	vmov v23;
	v15 =	vld [tilespmem:s18+$0xFFFFFF00];
	[tilespmem:s19+$0x30] =	vst v16;
	v16 =	vadd.f32 v31, v17  }
0x168: {  	v14 =	vmul.f32 v14, v7;
	v7 =	vmov v20;
	v17 =	vld [tilespmem:s18+$0xFFFFFF80]  }
0x169: {  	v18 =	vld [tilespmem:s18+$0x80];
	[tilespmem:s19+$0xFFFFFF30] =	vst v13;
	v13 =	vmul.f32 v16, v5;
	v5 =	vmov v24  }
0x16a: {  	v23 =	vor.u32 v2, v12;
	v20 =	vld [tilespmem:s18+$0xFFFFFF10];
	v16 =	vadd.f32 v21, v19;
	[tilespmem:s19+$0xFFFFFFB0] =	vst v14  }
0x16b: {  	v21 =	vld [tilespmem:s18+$0xFFFFFF90];
	[tilespmem:s19+$0xB0] =	vst v13;
	s19 =	smov.u32 s18  }
0x16c: {  	v14 =	vor.u32 v2, v11;
	v13 =	vadd.f32 v15, v27;
	v24 =	vmul.f32 v16, v8;
	v19 =	vld [tilespmem:s18+$0x90]  }
0x16d: {  	v16 =	vld [tilespmem:s18+$0xFFFFFF20];
	v17 =	vadd.f32 v17, v25;
	v25 =	vor.u32 v2, v10  }
0x16e: {  	v13 =	vmul.f32 v13, v6;
	v15 =	vld [tilespmem:s18+$0xFFFFFFA0];
	[tilespmem:s18+$0x0] =	vst v24;
	v18 =	vadd.f32 v18, v22;
	v22 =	vor.u32 v2, v9  }
0x16f: {  	v24 =	vmov s21;
	v17 =	vmul.f32 v17, v7;
	v29 =	vld.idx.msk [tilespmem:v23+s29+$0x0], $0xffff  }
0x170: {  	s0 =	sadd.s32 $0x3, s21;
	v23 =	vadd.s32 $0x190, v24;
	[tilespmem:s18+$0xFFFFFF00] =	vst v13;
	v30 =	vld [tilespmem:s18+$0x10];
	v13 =	vmul.f32 v18, v5  }
0x171: {  	v24 =	vmov s0;
	v18 =	vand.u32 $0xFFFFFFFC, v23;
	v26 =	vld.idx.msk [tilespmem:v14+s29+$0x0], $0xffff;
	[tilespmem:s18+$0xFFFFFF80] =	vst v17  }
.Ltmp4:
0x172: {  	s0 =	sadd.s32 $0x1, s21;
	v23 =	vbroadcast v18, $0x0;
	v14 =	vadd.s32 $0x190, v24;
	v28 =	vld.idx.msk [tilespmem:v25+s29+$0x0], $0xffff;
	[tilespmem:s18+$0x80] =	vst v13;
	(pc) =	sbr.rel @p0 .LBB2_10-.Ltmp4, $4  }
0x173: {  	v13 =	vmov s0;
	v24 =	vbroadcast v14, $0x0;
	v27 =	vld.idx.msk [tilespmem:v22+s29+$0x0], $0xffff  }
0x174: {  	v13 =	vadd.s32 $0x190, v13;
	v17 =	vld [tilespmem:s18+$0xA0]  }
0x175: {  	v14 =	vand.u32 $0xFFFFFFFD, v13;
	v13 =	vld [tilespmem:s18+$0xFFFFFF30];
	v31 =	vadd.f32 v30, v29;
	v30 =	vor.u32 v3, v12  }
0x176: {  	s23 =	sadd.s32 $0x2, s21;
	s21 =	sadd.s32 $0x4, s21;
	v25 =	vor.u32 v3, v9;
	v22 =	vbroadcast v14, $0x0;
	v29 =	vor.u32 v3, v11;
	v14 =	vld [tilespmem:s18+$0xFFFFFFB0]  }
0x177: {  	_ =	sdelay $0x1  }
0x178: {  	v18 =	vmov s23  }
0x179: {  	v18 =	vadd.s32 $0x190, v18  }
0x17a: {  	v33 =	vld.idx.msk [tilespmem:v23+s26+$0x0], $0xffff;
	v18 =	vand.u32 $0xFFFFFFFE, v18  }
0x17b: {  	v34 =	vld.idx.msk [tilespmem:v24+s26+$0x0], $0xffff;
	v32 =	vbroadcast v18, $0x0  }
0x17c: {  	v42 =	vld [tilespmem:s18+$0x20]  }
0x17d: {  	v23 =	vld.idx.msk [tilespmem:v23+s24+$0x0], $0xffff  }
0x17e: {  	v24 =	vld.idx.msk [tilespmem:v24+s24+$0x0], $0xffff  }
0x17f: {  	v60 =	vld [tilespmem:s18+$0x30]  }
0x180: {  	v43 =	vld.idx.msk [tilespmem:v22+s26+$0x0], $0xffff  }
0x181: {  	v20 =	vadd.f32 v20, v26;
	s21 =	sadd.s32 $0x200, s18;
	v39 =	vld.idx.msk [tilespmem:v32+s26+$0x0], $0xffff  }
0x182: {  	v36 =	vld [tilespmem:s21+$0x0]  }
0x183: {  	v47 =	vld [tilespmem:s21+$0xFFFFFF00];
	v20 =	vmul.f32 v20, v6  }
0x184: {  	v37 =	vld [tilespmem:s21+$0xFFFFFF80]  }
0x185: {  	v38 =	vld [tilespmem:s21+$0x80];
	[tilespmem:s18+$0xFFFFFF10] =	vst v20;
	v20 =	vshll.u32 v33, $0x6  }
0x186: {  	v31 =	vmul.f32 v31, v8;
	v22 =	vld.idx.msk [tilespmem:v22+s24+$0x0], $0xffff;
	v44 =	vor.u32 v0, v20;
	v26 =	vshll.u32 v39, $0x6  }
0x187: {  	v21 =	vadd.f32 v21, v28;
	v49 =	vld [tilespmem:s21+$0xFFFFFF10];
	v33 =	vshll.u32 v34, $0x6;
	v45 =	vor.u32 v0, v26  }
0x188: {  	v19 =	vadd.f32 v19, v27;
	v54 =	vld [tilespmem:s21+$0x10];
	[tilespmem:s18+$0x10] =	vst v31;
	v34 =	vor.u32 v0, v33;
	v31 =	vshll.u32 v43, $0x6  }
0x189: {  	v55 =	vld [tilespmem:s21+$0x90];
	v21 =	vmul.f32 v21, v7;
	v35 =	vor.u32 v0, v31  }
0x18a: {  	v19 =	vmul.f32 v19, v5;
	v32 =	vld.idx.msk [tilespmem:v32+s24+$0x0], $0xffff  }
0x18b: {  	[tilespmem:s18+$0xFFFFFF90] =	vst v21;
	v21 =	vld.idx.msk [tilespmem:v44+s29+$0x0], $0xffff  }
0x18c: {  	[tilespmem:s18+$0x90] =	vst v19;
	v19 =	vld.idx.msk [tilespmem:v45+s29+$0x0], $0xffff  }
0x18d: {  	v34 =	vld.idx.msk [tilespmem:v34+s29+$0x0], $0xffff  }
0x18e: {  	v46 =	vld.idx.msk [tilespmem:v35+s29+$0x0], $0xffff  }
0x18f: {  	v61 =	vld [tilespmem:s21+$0xFFFFFF20]  }
0x190: {  	v63 =	vld [tilespmem:s21+$0xFFFFFFA0];
	v50 =	vor.u32 v2, v20;
	v21 =	vadd.f32 v47, v21  }
0x191: {  	v41 =	vld.idx.msk [tilespmem:v30+s29+$0x0], $0xffff;
	v48 =	vor.u32 v2, v26;
	v19 =	vadd.f32 v36, v19  }
0x192: {  	v29 =	vld.idx.msk [tilespmem:v29+s29+$0x0], $0xffff;
	v53 =	vor.u32 v2, v33;
	v34 =	vadd.f32 v38, v34;
	v21 =	vmul.f32 v21, v23  }
0x193: {  	v18 =	vld [tilespmem:s18+$0xB0];
	v52 =	vor.u32 v2, v31;
	v51 =	vadd.f32 v37, v46;
	v19 =	vmul.f32 v19, v32  }
0x194: {  	v40 =	vor.u32 v3, v10;
	v39 =	vld [tilespmem:s21+$0xFFFFFF90];
	v56 =	vmul.f32 v34, v24;
	[tilespmem:s21+$0xFFFFFF00] =	vst v21  }
0x195: {  	v57 =	vld.idx.msk [tilespmem:v50+s29+$0x0], $0xffff;
	[tilespmem:s21+$0x0] =	vst v19;
	v19 =	vmul.f32 v51, v22  }
0x196: {  	v12 =	vor.u32 v4, v12;
	[tilespmem:s21+$0x80] =	vst v56;
	v36 =	vld.idx.msk [tilespmem:v48+s29+$0x0], $0xffff  }
0x197: {  	v27 =	vadd.f32 v42, v41;
	v16 =	vadd.f32 v16, v29;
	v29 =	vld.idx.msk [tilespmem:v53+s29+$0x0], $0xffff;
	[tilespmem:s21+$0xFFFFFF80] =	vst v19  }
0x198: {  	v11 =	vor.u32 v4, v11;
	v30 =	vld.idx.msk [tilespmem:v52+s29+$0x0], $0xffff  }
0x199: {  	v9 =	vor.u32 v4, v9;
	v28 =	vld.idx.msk [tilespmem:v40+s29+$0x0], $0xffff;
	v27 =	vmul.f32 v27, v8  }
0x19a: {  	v25 =	vld.idx.msk [tilespmem:v25+s29+$0x0], $0xffff;
	v62 =	vor.u32 v3, v20;
	v16 =	vmul.f32 v16, v6;
	v19 =	vadd.f32 v49, v57  }
0x19b: {  	v41 =	vor.u32 v3, v33;
	v44 =	vld [tilespmem:s21+$0x20];
	[tilespmem:s18+$0x20] =	vst v27;
	v59 =	vor.u32 v3, v26;
	v58 =	vadd.f32 v54, v36  }
0x19c: {  	v12 =	vld.idx.msk [tilespmem:v12+s29+$0x0], $0xffff;
	[tilespmem:s18+$0xFFFFFF20] =	vst v16;
	v21 =	vadd.f32 v55, v29;
	v19 =	vmul.f32 v19, v23  }
0x19d: {  	v40 =	vor.u32 v3, v31;
	v11 =	vld.idx.msk [tilespmem:v11+s29+$0x0], $0xffff;
	v34 =	vmul.f32 v58, v32;
	v30 =	vadd.f32 v39, v30  }
0x19e: {  	v42 =	vor.u32 v4, v10;
	v15 =	vadd.f32 v15, v28;
	v45 =	vld [tilespmem:s21+$0xA0];
	v21 =	vmul.f32 v21, v24;
	[tilespmem:s21+$0xFFFFFF10] =	vst v19  }
0x19f: {  	v17 =	vadd.f32 v17, v25;
	v46 =	vld.idx.msk [tilespmem:v62+s29+$0x0], $0xffff;
	[tilespmem:s21+$0x10] =	vst v34;
	v43 =	vmul.f32 v30, v22  }
0x1a0: {  	v15 =	vmul.f32 v15, v7;
	[tilespmem:s21+$0x90] =	vst v21;
	v35 =	vld.idx.msk [tilespmem:v59+s29+$0x0], $0xffff  }
0x1a1: {  	v17 =	vmul.f32 v17, v5;
	v48 =	vld.idx.msk [tilespmem:v41+s29+$0x0], $0xffff;
	[tilespmem:s21+$0xFFFFFF90] =	vst v43  }
0x1a2: {  	[tilespmem:s18+$0xFFFFFFA0] =	vst v15;
	v47 =	vld.idx.msk [tilespmem:v40+s29+$0x0], $0xffff  }
0x1a3: {  	v10 =	vld.idx.msk [tilespmem:v42+s29+$0x0], $0xffff;
	[tilespmem:s18+$0xA0] =	vst v17  }
0x1a4: {  	v20 =	vor.u32 v4, v20;
	v9 =	vld.idx.msk [tilespmem:v9+s29+$0x0], $0xffff;
	v25 =	vadd.f32 v61, v46  }
0x1a5: {  	v26 =	vor.u32 v4, v26;
	v50 =	vld [tilespmem:s21+$0xFFFFFF30];
	v49 =	vadd.f32 v44, v35  }
0x1a6: {  	v53 =	vld [tilespmem:s21+$0xB0];
	v54 =	vor.u32 v4, v33;
	v15 =	vadd.f32 v45, v48;
	v25 =	vmul.f32 v25, v23  }
0x1a7: {  	v51 =	vld [tilespmem:s21+$0xFFFFFFB0];
	v52 =	vor.u32 v4, v31;
	v17 =	vmul.f32 v49, v32;
	v21 =	vadd.f32 v63, v47  }
0x1a8: {  	v57 =	vld [tilespmem:s21+$0x30];
	v15 =	vmul.f32 v15, v24;
	[tilespmem:s21+$0xFFFFFF20] =	vst v25  }
0x1a9: {  	v58 =	vld.idx.msk [tilespmem:v20+s29+$0x0], $0xffff;
	[tilespmem:s21+$0x20] =	vst v17;
	v55 =	vmul.f32 v21, v22  }
0x1aa: {  	v11 =	vadd.f32 v13, v11;
	[tilespmem:s21+$0xA0] =	vst v15;
	v56 =	vld.idx.msk [tilespmem:v26+s29+$0x0], $0xffff  }
0x1ab: {  	v12 =	vadd.f32 v60, v12;
	v61 =	vld.idx.msk [tilespmem:v54+s29+$0x0], $0xffff;
	[tilespmem:s21+$0xFFFFFFA0] =	vst v55  }
0x1ac: {  	v9 =	vadd.f32 v18, v9;
	v6 =	vmul.f32 v11, v6;
	v59 =	vld.idx.msk [tilespmem:v52+s29+$0x0], $0xffff  }
0x1ad: {  	v60 =	vmul.f32 v12, v8;
	v10 =	vadd.f32 v14, v10  }
0x1ae: {  	v5 =	vmul.f32 v9, v5;
	[tilespmem:s19+$0xFFFFFF30] =	vst v6;
	v6 =	vadd.f32 v50, v58  }
0x1af: {  	[tilespmem:s19+$0x30] =	vst v60;
	v7 =	vmul.f32 v10, v7;
	v62 =	vadd.f32 v57, v56  }
0x1b0: {  	[tilespmem:s19+$0xB0] =	vst v5;
	v5 =	vmul.f32 v6, v23;
	v6 =	vadd.f32 v53, v61  }
0x1b1: {  	[tilespmem:s19+$0xFFFFFFB0] =	vst v7;
	v7 =	vmul.f32 v62, v32;
	v63 =	vadd.f32 v51, v59  }
0x1b2: {  	[tilespmem:s21+$0xFFFFFF30] =	vst v5;
	v5 =	vmul.f32 v6, v24  }
0x1b3: {  	[tilespmem:s21+$0x30] =	vst v7;
	v7 =	vmul.f32 v63, v22  }
0x1b4: {  	s23 =	sadd.s32 $0x0, s9;
	[tilespmem:s21+$0xB0] =	vst v5  }
0x1b5: {  	s18 =	simm.s32 $0xDEC0;
	s19 =	simm.s32 $0x8;
	[tilespmem:s21+$0xFFFFFFB0] =	vst v7;
	s21 =	simm.s32 $0xDF40  }
.LBB2_12:
0x1b6: {  	[hbm4b:s23+s3] =	stream.linear.scatter [tilespmem:s18], [sflag:$0x2], $0x40, $0x38;
	[tilespmem:$0x1CEC0] =	vst v63  }
0x1b7: {  	s0 =	smov.u32 s19;
	s18 =	smov.u32 s21;
	p0 =	sne.s32 s19, $0xC78  }
.Ltmp5:
0x1b8: {  	s19 =	sadd.s32 $0x8, s19;
	(pc) =	sbr.rel @p0 .LBB2_12-.Ltmp5, $2  }
0x1b9: {  	_ =	sdelay $0x2  }
0x1ba: {  	s21 =	sadd.s32 $0x80, s21;
	s23 =	sadd.s32 s0, s9  }
0x1bb: {  	[hbm4b:s23+s3] =	stream.linear.scatter [tilespmem:s18], [sflag:$0x2], $0x40, $0x38;
	[tilespmem:$0x1CEC0] =	vst v63  }
0x1bc: {  	_ =	swait.ge [sflag:s16], $0x6400  }
0x1bd: {  	[sflag:s16] =	ssyncset.done $0x0  }
0x1be: {  	[sflag:s16] =	ssyncadd.s32 $0xFFFF9C00  }
0x1bf: {  	_ =	swait.ge [sflag:s30], $0x2800  }
0x1c0: {  	[sflag:s30] =	ssyncset.done $0x0  }
0x1c1: {  	[sflag:s30] =	ssyncadd.s32 $0xFFFFD800  }
0x1c2: {  	_ =	swait.ge [sflag:s30], $0x2800  }
0x1c3: {  	[sflag:s30] =	ssyncset.done $0x0  }
0x1c4: {  	[sflag:s30] =	ssyncadd.s32 $0xFFFFD800  }
0x1c5: {  	_ =	swait.ge [sflag:s30], $0x2800  }
0x1c6: {  	[sflag:s30] =	ssyncset.done $0x0  }
0x1c7: {  	[sflag:s30] =	ssyncadd.s32 $0xFFFFD800  }
0x1c8: {  	_ =	swait.ge [sflag:s30], $0x2800  }
0x1c9: {  	[sflag:s30] =	ssyncset.done $0x0  }
0x1ca: {  	[sflag:s30] =	ssyncadd.s32 $0xFFFFD800  }
0x1cb: {  	s0 =	simm.s32 $0xDEC0;
	s5 =	simm.s32 $0x4B0;
	_ =	swait.ge [sflag:s30], $0x2800  }
0x1cc: {  	s23 =	simm.s32 $0x0;
	s18 =	simm.s32 $0x3;
	[sflag:s30] =	ssyncset.done $0x0  }
0x1cd: {  	s19 =	simm.s32 $0x1;
	s21 =	simm.s32 $0x2;
	v5 =	vmov s23;
	[sflag:s30] =	ssyncadd.s32 $0xFFFFD800  }
0x1ce: {  	v6 =	vmov s18;
	v7 =	vmov s19;
	[tilespmem:s0], [sflag:$0x1] =	stream.indirect.gather [hbm4b:s4+s17], $0x80, s5, s17, $0xb8;
	[tilespmem:$0x1CEC0] =	vst v63  }
0x1cf: {  	v8 =	vmov s21;
	v5 =	vadd.s32 $0x320, v5;
	v6 =	vadd.s32 $0x320, v6;
	s5 =	simm.s32 $0x500  }
0x1d0: {  	v7 =	vadd.s32 $0x320, v7;
	v5 =	vand.u32 $0xFFFFFFFC, v5;
	v13 =	vbroadcast v6, $0x0;
	[tilespmem:s2], [sflag:$0x1] =	stream.indirect.gather [hbm4b:s4+s17], $0x80, s5, s17, $0xb8;
	[tilespmem:$0x1CEC0] =	vst v63  }
0x1d1: {  	s23 =	simm.s32 $0x550;
	v6 =	vand.u32 $0xFFFFFFFD, v7;
	v7 =	vadd.s32 $0x320, v8;
	v5 =	vbroadcast v5, $0x0  }
0x1d2: {  	v8 =	vbroadcast v6, $0x0;
	v6 =	vand.u32 $0xFFFFFFFE, v7;
	[tilespmem:s22], [sflag:$0x1] =	stream.indirect.gather [hbm4b:s4+s17], $0x80, s23, s17, $0xb8;
	[tilespmem:$0x1CEC0] =	vst v63  }
0x1d3: {  	v14 =	vbroadcast v6, $0x0;
	s5 =	simm.s32 $0x5A0  }
0x1d4: {  	[tilespmem:s31], [sflag:$0x1] =	stream.indirect.gather [hbm4b:s4+s17], $0x80, s5, s17, $0xb8;
	[tilespmem:$0x1CEC0] =	vst v63  }
0x1d5: {  	s18 =	simm.s32 $0x5F0  }
0x1d6: {  	[tilespmem:s20], [sflag:$0x1] =	stream.indirect.gather [hbm4b:s4+s17], $0x80, s18, s17, $0xb8;
	[tilespmem:$0x1CEC0] =	vst v63  }
0x1d7: {  	v6 =	vld.idx.msk [tilespmem:v5+s26+$0x0], $0xffff  }
0x1d8: {  	v7 =	vld.idx.msk [tilespmem:v13+s26+$0x0], $0xffff  }
0x1d9: {  	v12 =	vld.idx.msk [tilespmem:v14+s26+$0x0], $0xffff;
	_ =	sdelay $0x3  }
0x1da: {  	v10 =	vld.idx.msk [tilespmem:v8+s26+$0x0], $0xffff;
	v9 =	vshll.u32 v7, $0x6  }
0x1db: {  	v11 =	vshll.u32 v6, $0x6;
	v6 =	vld.idx.msk [tilespmem:v5+s24+$0x0], $0xffff;
	v12 =	vshll.u32 v12, $0x6;
	v16 =	vor.u32 v0, v9  }
0x1dc: {  	s18 =	simm.s32 $0x17C0;
	v5 =	vld.idx.msk [tilespmem:v13+s24+$0x0], $0xffff;
	v13 =	vor.u32 v0, v12  }
0x1dd: {  	v22 =	vld [tilespmem:s18+$0xFFFFFF80]  }
0x1de: {  	v7 =	vld.idx.msk [tilespmem:v8+s24+$0x0], $0xffff  }
0x1df: {  	v10 =	vshll.u32 v10, $0x6;
	v8 =	vld.idx.msk [tilespmem:v14+s24+$0x0], $0xffff;
	v15 =	vor.u32 v0, v11  }
0x1e0: {  	v17 =	vor.u32 v0, v10;
	v18 =	vld.idx.msk [tilespmem:v16+s29+$0x0], $0xffff  }
0x1e1: {  	v13 =	vld.idx.msk [tilespmem:v13+s29+$0x0], $0xffff  }
0x1e2: {  	v16 =	vld [tilespmem:s18+$0x0]  }
0x1e3: {  	v14 =	vld [tilespmem:s18+$0xFFFFFF00]  }
0x1e4: {  	v15 =	vld.idx.msk [tilespmem:v15+s29+$0x0], $0xffff  }
0x1e5: {  	v17 =	vld.idx.msk [tilespmem:v17+s29+$0x0], $0xffff  }
0x1e6: {  	v23 =	vld [tilespmem:s18+$0x80]  }
0x1e7: {  	v13 =	vadd.f32 v16, v13  }
0x1e8: {  	v20 =	vld [tilespmem:s18+$0xFFFFFF10]  }
0x1e9: {  	v21 =	vld [tilespmem:s18+$0xFFFFFF90];
	v24 =	vor.u32 v2, v12;
	v14 =	vadd.f32 v14, v15;
	v13 =	vmul.f32 v13, v8  }
0x1ea: {  	v19 =	vld [tilespmem:s18+$0x90];
	v25 =	vor.u32 v2, v11;
	v17 =	vadd.f32 v22, v17  }
0x1eb: {  	v16 =	vld [tilespmem:s18+$0xFFFFFF20];
	v22 =	vor.u32 v2, v10;
	v14 =	vmul.f32 v14, v6;
	[tilespmem:s18+$0x0] =	vst v13;
	v13 =	vadd.f32 v23, v18  }
0x1ec: {  	s19 =	simm.s32 $0x4;
	v15 =	vld [tilespmem:s18+$0xFFFFFFA0];
	v17 =	vmul.f32 v17, v7;
	v18 =	vor.u32 v2, v9  }
0x1ed: {  	[tilespmem:s18+$0xFFFFFF00] =	vst v14;
	v14 =	vld [tilespmem:s18+$0x10];
	v23 =	vmov s19;
	v13 =	vmul.f32 v13, v5  }
0x1ee: {  	s21 =	simm.s32 $0x7;
	[tilespmem:s18+$0xFFFFFF80] =	vst v17;
	v29 =	vld.idx.msk [tilespmem:v24+s29+$0x0], $0xffff;
	v17 =	vadd.s32 $0x320, v23  }
0x1ef: {  	v26 =	vld.idx.msk [tilespmem:v25+s29+$0x0], $0xffff;
	v23 =	vmov s21;
	[tilespmem:s18+$0x80] =	vst v13;
	v13 =	vand.u32 $0xFFFFFFFC, v17  }
0x1f0: {  	s23 =	simm.s32 $0x5;
	v28 =	vld.idx.msk [tilespmem:v22+s29+$0x0], $0xffff;
	v17 =	vadd.s32 $0x320, v23;
	v23 =	vbroadcast v13, $0x0  }
0x1f1: {  	v22 =	vmov s23;
	v27 =	vld.idx.msk [tilespmem:v18+s29+$0x0], $0xffff;
	v24 =	vbroadcast v17, $0x0  }
0x1f2: {  	v13 =	vadd.s32 $0x320, v22;
	v17 =	vld [tilespmem:s18+$0xA0]  }
0x1f3: {  	v30 =	vor.u32 v3, v12;
	v18 =	vand.u32 $0xFFFFFFFD, v13;
	v13 =	vld [tilespmem:s18+$0xFFFFFF30];
	v31 =	vadd.f32 v14, v29  }
0x1f4: {  	s19 =	simm.s32 $0x17C0;
	s23 =	simm.s32 $0x6;
	s21 =	simm.s32 $0x8;
	v25 =	vor.u32 v3, v9;
	v29 =	vor.u32 v3, v11;
	v14 =	vld [tilespmem:s18+$0xFFFFFFB0];
	v22 =	vbroadcast v18, $0x0  }
.LBB2_14:
0x1f5: {  	p0 =	slt.u32 s21, $0x18C;
	v18 =	vmov s23;
	v20 =	vadd.f32 v20, v26;
	v26 =	vmul.f32 v31, v8;
	v31 =	vld [tilespmem:s18+$0xB0]  }
0x1f6: {  	v21 =	vadd.f32 v21, v28;
	v28 =	vor.u32 v3, v10;
	v32 =	vld.idx.msk [tilespmem:v23+s26+$0x0], $0xffff;
	v18 =	vadd.s32 $0x320, v18  }
0x1f7: {  	v19 =	vadd.f32 v19, v27;
	v18 =	vand.u32 $0xFFFFFFFE, v18;
	v33 =	vld.idx.msk [tilespmem:v24+s26+$0x0], $0xffff;
	v20 =	vmul.f32 v20, v6;
	[tilespmem:s18+$0x10] =	vst v26  }
0x1f8: {  	v21 =	vmul.f32 v21, v7;
	v18 =	vbroadcast v18, $0x0;
	v26 =	vld.idx.msk [tilespmem:v30+s29+$0x0], $0xffff  }
0x1f9: {  	v19 =	vmul.f32 v19, v5;
	[tilespmem:s18+$0xFFFFFF10] =	vst v20;
	v20 =	vld [tilespmem:s18+$0x20]  }
0x1fa: {  	v27 =	vld.idx.msk [tilespmem:v29+s29+$0x0], $0xffff;
	[tilespmem:s18+$0xFFFFFF90] =	vst v21  }
0x1fb: {  	v21 =	vld.idx.msk [tilespmem:v28+s29+$0x0], $0xffff;
	[tilespmem:s18+$0x90] =	vst v19  }
0x1fc: {  	v19 =	vshll.u32 v32, $0x6;
	v25 =	vld.idx.msk [tilespmem:v25+s29+$0x0], $0xffff  }
0x1fd: {  	v28 =	vor.u32 v0, v19;
	v29 =	vld.idx.msk [tilespmem:v22+s26+$0x0], $0xffff  }
0x1fe: {  	v12 =	vor.u32 v4, v12;
	v30 =	vld.idx.msk [tilespmem:v18+s26+$0x0], $0xffff;
	v20 =	vadd.f32 v20, v26  }
0x1ff: {  	v23 =	vld.idx.msk [tilespmem:v23+s24+$0x0], $0xffff  }
0x200: {  	v26 =	vor.u32 v4, v11;
	v16 =	vadd.f32 v16, v27;
	v24 =	vld.idx.msk [tilespmem:v24+s24+$0x0], $0xffff;
	v32 =	vmul.f32 v20, v8  }
0x201: {  	v15 =	vadd.f32 v15, v21;
	v21 =	vor.u32 v4, v10;
	v20 =	vld.idx.msk [tilespmem:v22+s24+$0x0], $0xffff;
	v22 =	vor.u32 v4, v9  }
0x202: {  	v9 =	vshll.u32 v33, $0x6;
	v16 =	vmul.f32 v16, v6;
	v17 =	vadd.f32 v17, v25;
	v27 =	vld.idx.msk [tilespmem:v28+s29+$0x0], $0xffff;
	[tilespmem:s18+$0x20] =	vst v32  }
0x203: {  	v11 =	vmovc v19;
	v10 =	vshll.u32 v29, $0x6;
	v25 =	vor.u32 v0, v9;
	v15 =	vmul.f32 v15, v7;
	v28 =	vld.idx.msk [tilespmem:v12+s29+$0x0], $0xffff  }
0x204: {  	v19 =	vor.u32 v0, v10;
	v12 =	vshll.u32 v30, $0x6;
	v17 =	vmul.f32 v17, v5;
	[tilespmem:s18+$0xFFFFFF20] =	vst v16;
	v16 =	vld [tilespmem:s18+$0x30]  }
0x205: {  	v29 =	vor.u32 v0, v12;
	v26 =	vld.idx.msk [tilespmem:v26+s29+$0x0], $0xffff;
	[tilespmem:s18+$0xFFFFFFA0] =	vst v15  }
0x206: {  	v15 =	vld.idx.msk [tilespmem:v21+s29+$0x0], $0xffff;
	[tilespmem:s18+$0xA0] =	vst v17  }
0x207: {  	v17 =	vld.idx.msk [tilespmem:v22+s29+$0x0], $0xffff  }
0x208: {  	v22 =	vld.idx.msk [tilespmem:v25+s29+$0x0], $0xffff  }
0x209: {  	v25 =	vld.idx.msk [tilespmem:v19+s29+$0x0], $0xffff;
	v16 =	vadd.f32 v16, v28  }
0x20a: {  	s18 =	sadd.s32 $0x200, s18;
	v19 =	vld.idx.msk [tilespmem:v29+s29+$0x0], $0xffff  }
0x20b: {  	v13 =	vadd.f32 v13, v26;
	v21 =	vld [tilespmem:s18+$0x0];
	v16 =	vmul.f32 v16, v8  }
0x20c: {  	v14 =	vadd.f32 v14, v15;
	v8 =	vld.idx.msk [tilespmem:v18+s24+$0x0], $0xffff  }
0x20d: {  	v13 =	vmul.f32 v13, v6;
	v6 =	vmov v23;
	v15 =	vld [tilespmem:s18+$0xFFFFFF00];
	[tilespmem:s19+$0x30] =	vst v16;
	v16 =	vadd.f32 v31, v17  }
0x20e: {  	v14 =	vmul.f32 v14, v7;
	v7 =	vmov v20;
	v17 =	vld [tilespmem:s18+$0xFFFFFF80]  }
0x20f: {  	v18 =	vld [tilespmem:s18+$0x80];
	[tilespmem:s19+$0xFFFFFF30] =	vst v13;
	v13 =	vmul.f32 v16, v5;
	v5 =	vmov v24  }
0x210: {  	v23 =	vor.u32 v2, v12;
	v20 =	vld [tilespmem:s18+$0xFFFFFF10];
	v16 =	vadd.f32 v21, v19;
	[tilespmem:s19+$0xFFFFFFB0] =	vst v14  }
0x211: {  	v21 =	vld [tilespmem:s18+$0xFFFFFF90];
	[tilespmem:s19+$0xB0] =	vst v13;
	s19 =	smov.u32 s18  }
0x212: {  	v14 =	vor.u32 v2, v11;
	v13 =	vadd.f32 v15, v27;
	v24 =	vmul.f32 v16, v8;
	v19 =	vld [tilespmem:s18+$0x90]  }
0x213: {  	v16 =	vld [tilespmem:s18+$0xFFFFFF20];
	v17 =	vadd.f32 v17, v25;
	v25 =	vor.u32 v2, v10  }
0x214: {  	v13 =	vmul.f32 v13, v6;
	v15 =	vld [tilespmem:s18+$0xFFFFFFA0];
	[tilespmem:s18+$0x0] =	vst v24;
	v18 =	vadd.f32 v18, v22;
	v22 =	vor.u32 v2, v9  }
0x215: {  	v24 =	vmov s21;
	v17 =	vmul.f32 v17, v7;
	v29 =	vld.idx.msk [tilespmem:v23+s29+$0x0], $0xffff  }
0x216: {  	s0 =	sadd.s32 $0x3, s21;
	v23 =	vadd.s32 $0x320, v24;
	[tilespmem:s18+$0xFFFFFF00] =	vst v13;
	v30 =	vld [tilespmem:s18+$0x10];
	v13 =	vmul.f32 v18, v5  }
0x217: {  	v24 =	vmov s0;
	v18 =	vand.u32 $0xFFFFFFFC, v23;
	v26 =	vld.idx.msk [tilespmem:v14+s29+$0x0], $0xffff;
	[tilespmem:s18+$0xFFFFFF80] =	vst v17  }
.Ltmp6:
0x218: {  	s0 =	sadd.s32 $0x1, s21;
	v23 =	vbroadcast v18, $0x0;
	v14 =	vadd.s32 $0x320, v24;
	v28 =	vld.idx.msk [tilespmem:v25+s29+$0x0], $0xffff;
	[tilespmem:s18+$0x80] =	vst v13;
	(pc) =	sbr.rel @p0 .LBB2_14-.Ltmp6, $4  }
0x219: {  	v13 =	vmov s0;
	v24 =	vbroadcast v14, $0x0;
	v27 =	vld.idx.msk [tilespmem:v22+s29+$0x0], $0xffff  }
0x21a: {  	v13 =	vadd.s32 $0x320, v13;
	v17 =	vld [tilespmem:s18+$0xA0]  }
0x21b: {  	v14 =	vand.u32 $0xFFFFFFFD, v13;
	v13 =	vld [tilespmem:s18+$0xFFFFFF30];
	v31 =	vadd.f32 v30, v29;
	v30 =	vor.u32 v3, v12  }
0x21c: {  	s23 =	sadd.s32 $0x2, s21;
	s21 =	sadd.s32 $0x4, s21;
	v25 =	vor.u32 v3, v9;
	v22 =	vbroadcast v14, $0x0;
	v29 =	vor.u32 v3, v11;
	v14 =	vld [tilespmem:s18+$0xFFFFFFB0]  }
0x21d: {  	_ =	sdelay $0x1  }
0x21e: {  	v18 =	vmov s23  }
0x21f: {  	v18 =	vadd.s32 $0x320, v18  }
0x220: {  	v33 =	vld.idx.msk [tilespmem:v23+s26+$0x0], $0xffff;
	v18 =	vand.u32 $0xFFFFFFFE, v18  }
0x221: {  	v34 =	vld.idx.msk [tilespmem:v24+s26+$0x0], $0xffff;
	v32 =	vbroadcast v18, $0x0  }
0x222: {  	v42 =	vld [tilespmem:s18+$0x20]  }
0x223: {  	v23 =	vld.idx.msk [tilespmem:v23+s24+$0x0], $0xffff  }
0x224: {  	v24 =	vld.idx.msk [tilespmem:v24+s24+$0x0], $0xffff  }
0x225: {  	v60 =	vld [tilespmem:s18+$0x30]  }
0x226: {  	v43 =	vld.idx.msk [tilespmem:v22+s26+$0x0], $0xffff  }
0x227: {  	v20 =	vadd.f32 v20, v26;
	s21 =	sadd.s32 $0x200, s18;
	v39 =	vld.idx.msk [tilespmem:v32+s26+$0x0], $0xffff  }
0x228: {  	v36 =	vld [tilespmem:s21+$0x0]  }
0x229: {  	v47 =	vld [tilespmem:s21+$0xFFFFFF00];
	v20 =	vmul.f32 v20, v6  }
0x22a: {  	v37 =	vld [tilespmem:s21+$0xFFFFFF80]  }
0x22b: {  	v38 =	vld [tilespmem:s21+$0x80];
	[tilespmem:s18+$0xFFFFFF10] =	vst v20;
	v20 =	vshll.u32 v33, $0x6  }
0x22c: {  	v31 =	vmul.f32 v31, v8;
	v22 =	vld.idx.msk [tilespmem:v22+s24+$0x0], $0xffff;
	v44 =	vor.u32 v0, v20;
	v26 =	vshll.u32 v39, $0x6  }
0x22d: {  	v21 =	vadd.f32 v21, v28;
	v49 =	vld [tilespmem:s21+$0xFFFFFF10];
	v33 =	vshll.u32 v34, $0x6;
	v45 =	vor.u32 v0, v26  }
0x22e: {  	v19 =	vadd.f32 v19, v27;
	v54 =	vld [tilespmem:s21+$0x10];
	[tilespmem:s18+$0x10] =	vst v31;
	v34 =	vor.u32 v0, v33;
	v31 =	vshll.u32 v43, $0x6  }
0x22f: {  	v55 =	vld [tilespmem:s21+$0x90];
	v21 =	vmul.f32 v21, v7;
	v35 =	vor.u32 v0, v31  }
0x230: {  	v19 =	vmul.f32 v19, v5;
	v32 =	vld.idx.msk [tilespmem:v32+s24+$0x0], $0xffff  }
0x231: {  	[tilespmem:s18+$0xFFFFFF90] =	vst v21;
	v21 =	vld.idx.msk [tilespmem:v44+s29+$0x0], $0xffff  }
0x232: {  	[tilespmem:s18+$0x90] =	vst v19;
	v19 =	vld.idx.msk [tilespmem:v45+s29+$0x0], $0xffff  }
0x233: {  	v34 =	vld.idx.msk [tilespmem:v34+s29+$0x0], $0xffff  }
0x234: {  	v46 =	vld.idx.msk [tilespmem:v35+s29+$0x0], $0xffff  }
0x235: {  	v61 =	vld [tilespmem:s21+$0xFFFFFF20]  }
0x236: {  	v63 =	vld [tilespmem:s21+$0xFFFFFFA0];
	v50 =	vor.u32 v2, v20;
	v21 =	vadd.f32 v47, v21  }
0x237: {  	v41 =	vld.idx.msk [tilespmem:v30+s29+$0x0], $0xffff;
	v48 =	vor.u32 v2, v26;
	v19 =	vadd.f32 v36, v19  }
0x238: {  	v29 =	vld.idx.msk [tilespmem:v29+s29+$0x0], $0xffff;
	v53 =	vor.u32 v2, v33;
	v34 =	vadd.f32 v38, v34;
	v21 =	vmul.f32 v21, v23  }
0x239: {  	v18 =	vld [tilespmem:s18+$0xB0];
	v52 =	vor.u32 v2, v31;
	v51 =	vadd.f32 v37, v46;
	v19 =	vmul.f32 v19, v32  }
0x23a: {  	v40 =	vor.u32 v3, v10;
	v39 =	vld [tilespmem:s21+$0xFFFFFF90];
	v56 =	vmul.f32 v34, v24;
	[tilespmem:s21+$0xFFFFFF00] =	vst v21  }
0x23b: {  	v57 =	vld.idx.msk [tilespmem:v50+s29+$0x0], $0xffff;
	[tilespmem:s21+$0x0] =	vst v19;
	v19 =	vmul.f32 v51, v22  }
0x23c: {  	v12 =	vor.u32 v4, v12;
	[tilespmem:s21+$0x80] =	vst v56;
	v36 =	vld.idx.msk [tilespmem:v48+s29+$0x0], $0xffff  }
0x23d: {  	v27 =	vadd.f32 v42, v41;
	v16 =	vadd.f32 v16, v29;
	v29 =	vld.idx.msk [tilespmem:v53+s29+$0x0], $0xffff;
	[tilespmem:s21+$0xFFFFFF80] =	vst v19  }
0x23e: {  	v11 =	vor.u32 v4, v11;
	v30 =	vld.idx.msk [tilespmem:v52+s29+$0x0], $0xffff  }
0x23f: {  	v9 =	vor.u32 v4, v9;
	v28 =	vld.idx.msk [tilespmem:v40+s29+$0x0], $0xffff;
	v27 =	vmul.f32 v27, v8  }
0x240: {  	v25 =	vld.idx.msk [tilespmem:v25+s29+$0x0], $0xffff;
	v62 =	vor.u32 v3, v20;
	v16 =	vmul.f32 v16, v6;
	v19 =	vadd.f32 v49, v57  }
0x241: {  	v41 =	vor.u32 v3, v33;
	v44 =	vld [tilespmem:s21+$0x20];
	[tilespmem:s18+$0x20] =	vst v27;
	v59 =	vor.u32 v3, v26;
	v58 =	vadd.f32 v54, v36  }
0x242: {  	v12 =	vld.idx.msk [tilespmem:v12+s29+$0x0], $0xffff;
	[tilespmem:s18+$0xFFFFFF20] =	vst v16;
	v21 =	vadd.f32 v55, v29;
	v19 =	vmul.f32 v19, v23  }
0x243: {  	v40 =	vor.u32 v3, v31;
	v11 =	vld.idx.msk [tilespmem:v11+s29+$0x0], $0xffff;
	v34 =	vmul.f32 v58, v32;
	v30 =	vadd.f32 v39, v30  }
0x244: {  	v42 =	vor.u32 v4, v10;
	v15 =	vadd.f32 v15, v28;
	v45 =	vld [tilespmem:s21+$0xA0];
	v21 =	vmul.f32 v21, v24;
	[tilespmem:s21+$0xFFFFFF10] =	vst v19  }
0x245: {  	v17 =	vadd.f32 v17, v25;
	v46 =	vld.idx.msk [tilespmem:v62+s29+$0x0], $0xffff;
	[tilespmem:s21+$0x10] =	vst v34;
	v43 =	vmul.f32 v30, v22  }
0x246: {  	v15 =	vmul.f32 v15, v7;
	[tilespmem:s21+$0x90] =	vst v21;
	v35 =	vld.idx.msk [tilespmem:v59+s29+$0x0], $0xffff  }
0x247: {  	v17 =	vmul.f32 v17, v5;
	v48 =	vld.idx.msk [tilespmem:v41+s29+$0x0], $0xffff;
	[tilespmem:s21+$0xFFFFFF90] =	vst v43  }
0x248: {  	[tilespmem:s18+$0xFFFFFFA0] =	vst v15;
	v47 =	vld.idx.msk [tilespmem:v40+s29+$0x0], $0xffff  }
0x249: {  	v10 =	vld.idx.msk [tilespmem:v42+s29+$0x0], $0xffff;
	[tilespmem:s18+$0xA0] =	vst v17  }
0x24a: {  	v20 =	vor.u32 v4, v20;
	v9 =	vld.idx.msk [tilespmem:v9+s29+$0x0], $0xffff;
	v25 =	vadd.f32 v61, v46  }
0x24b: {  	v26 =	vor.u32 v4, v26;
	v50 =	vld [tilespmem:s21+$0xFFFFFF30];
	v49 =	vadd.f32 v44, v35  }
0x24c: {  	v53 =	vld [tilespmem:s21+$0xB0];
	v54 =	vor.u32 v4, v33;
	v15 =	vadd.f32 v45, v48;
	v25 =	vmul.f32 v25, v23  }
0x24d: {  	v51 =	vld [tilespmem:s21+$0xFFFFFFB0];
	v52 =	vor.u32 v4, v31;
	v17 =	vmul.f32 v49, v32;
	v21 =	vadd.f32 v63, v47  }
0x24e: {  	v57 =	vld [tilespmem:s21+$0x30];
	v15 =	vmul.f32 v15, v24;
	[tilespmem:s21+$0xFFFFFF20] =	vst v25  }
0x24f: {  	v58 =	vld.idx.msk [tilespmem:v20+s29+$0x0], $0xffff;
	[tilespmem:s21+$0x20] =	vst v17;
	v55 =	vmul.f32 v21, v22  }
0x250: {  	v11 =	vadd.f32 v13, v11;
	[tilespmem:s21+$0xA0] =	vst v15;
	v56 =	vld.idx.msk [tilespmem:v26+s29+$0x0], $0xffff  }
0x251: {  	v12 =	vadd.f32 v60, v12;
	v61 =	vld.idx.msk [tilespmem:v54+s29+$0x0], $0xffff;
	[tilespmem:s21+$0xFFFFFFA0] =	vst v55  }
0x252: {  	v9 =	vadd.f32 v18, v9;
	v6 =	vmul.f32 v11, v6;
	v59 =	vld.idx.msk [tilespmem:v52+s29+$0x0], $0xffff  }
0x253: {  	v60 =	vmul.f32 v12, v8;
	v10 =	vadd.f32 v14, v10  }
0x254: {  	v5 =	vmul.f32 v9, v5;
	[tilespmem:s19+$0xFFFFFF30] =	vst v6;
	v6 =	vadd.f32 v50, v58  }
0x255: {  	[tilespmem:s19+$0x30] =	vst v60;
	v7 =	vmul.f32 v10, v7;
	v62 =	vadd.f32 v57, v56  }
0x256: {  	[tilespmem:s19+$0xB0] =	vst v5;
	v5 =	vmul.f32 v6, v23;
	v6 =	vadd.f32 v53, v61  }
0x257: {  	[tilespmem:s19+$0xFFFFFFB0] =	vst v7;
	v7 =	vmul.f32 v62, v32;
	v63 =	vadd.f32 v51, v59  }
0x258: {  	[tilespmem:s21+$0xFFFFFF30] =	vst v5;
	v5 =	vmul.f32 v6, v24  }
0x259: {  	[tilespmem:s21+$0x30] =	vst v7;
	v7 =	vmul.f32 v63, v22  }
0x25a: {  	s23 =	sadd.s32 $0x0, s10;
	[tilespmem:s21+$0xB0] =	vst v5  }
0x25b: {  	s18 =	simm.s32 $0x16C0;
	s19 =	simm.s32 $0x8;
	[tilespmem:s21+$0xFFFFFFB0] =	vst v7;
	s21 =	simm.s32 $0x1740  }
.LBB2_16:
0x25c: {  	[hbm4b:s23+s3] =	stream.linear.scatter [tilespmem:s18], [sflag:$0x2], $0x40, $0x38;
	[tilespmem:$0x1CEC0] =	vst v63  }
0x25d: {  	s0 =	smov.u32 s19;
	s18 =	smov.u32 s21;
	p0 =	sne.s32 s19, $0xC78  }
.Ltmp7:
0x25e: {  	s19 =	sadd.s32 $0x8, s19;
	(pc) =	sbr.rel @p0 .LBB2_16-.Ltmp7, $2  }
0x25f: {  	_ =	sdelay $0x2  }
0x260: {  	s21 =	sadd.s32 $0x80, s21;
	s23 =	sadd.s32 s0, s10  }
0x261: {  	[hbm4b:s23+s3] =	stream.linear.scatter [tilespmem:s18], [sflag:$0x2], $0x40, $0x38;
	[tilespmem:$0x1CEC0] =	vst v63  }
0x262: {  	_ =	swait.ge [sflag:s16], $0x6400  }
0x263: {  	[sflag:s16] =	ssyncset.done $0x0  }
0x264: {  	[sflag:s16] =	ssyncadd.s32 $0xFFFF9C00  }
0x265: {  	_ =	swait.ge [sflag:s30], $0x2800  }
0x266: {  	[sflag:s30] =	ssyncset.done $0x0  }
0x267: {  	[sflag:s30] =	ssyncadd.s32 $0xFFFFD800  }
0x268: {  	_ =	swait.ge [sflag:s30], $0x2800  }
0x269: {  	s0 =	simm.s32 $0x0;
	[sflag:s30] =	ssyncset.done $0x0  }
0x26a: {  	s23 =	simm.s32 $0x3;
	s5 =	simm.s32 $0x1;
	[sflag:s30] =	ssyncadd.s32 $0xFFFFD800  }
0x26b: {  	s18 =	simm.s32 $0x2;
	v5 =	vmov s0;
	v6 =	vmov s23;
	v7 =	vmov s5;
	_ =	swait.ge [sflag:s30], $0x2800  }
0x26c: {  	v8 =	vmov s18;
	v5 =	vadd.s32 $0x4B0, v5;
	v6 =	vadd.s32 $0x4B0, v6;
	[sflag:s30] =	ssyncset.done $0x0  }
0x26d: {  	v7 =	vadd.s32 $0x4B0, v7;
	v5 =	vand.u32 $0xFFFFFFFC, v5;
	v13 =	vbroadcast v6, $0x0;
	[sflag:s30] =	ssyncadd.s32 $0xFFFFD800  }
0x26e: {  	v6 =	vand.u32 $0xFFFFFFFD, v7;
	v7 =	vadd.s32 $0x4B0, v8;
	v5 =	vbroadcast v5, $0x0;
	_ =	swait.ge [sflag:s30], $0x2800  }
0x26f: {  	v8 =	vbroadcast v6, $0x0;
	v6 =	vand.u32 $0xFFFFFFFE, v7;
	[sflag:s30] =	ssyncset.done $0x0  }
0x270: {  	v14 =	vbroadcast v6, $0x0;
	[sflag:s30] =	ssyncadd.s32 $0xFFFFD800  }
0x271: {  	_ =	swait.ge [sflag:s30], $0x2800  }
0x272: {  	[sflag:s30] =	ssyncset.done $0x0  }
0x273: {  	[sflag:s30] =	ssyncadd.s32 $0xFFFFD800  }
0x274: {  	v6 =	vld.idx.msk [tilespmem:v5+s26+$0x0], $0xffff  }
0x275: {  	v7 =	vld.idx.msk [tilespmem:v13+s26+$0x0], $0xffff  }
0x276: {  	v12 =	vld.idx.msk [tilespmem:v14+s26+$0x0], $0xffff;
	_ =	sdelay $0x3  }
0x277: {  	v10 =	vld.idx.msk [tilespmem:v8+s26+$0x0], $0xffff;
	v9 =	vshll.u32 v7, $0x6  }
0x278: {  	v11 =	vshll.u32 v6, $0x6;
	v6 =	vld.idx.msk [tilespmem:v5+s24+$0x0], $0xffff;
	v12 =	vshll.u32 v12, $0x6;
	v16 =	vor.u32 v0, v9  }
0x279: {  	s18 =	simm.s32 $0xDFC0;
	v5 =	vld.idx.msk [tilespmem:v13+s24+$0x0], $0xffff;
	v13 =	vor.u32 v0, v12  }
0x27a: {  	v22 =	vld [tilespmem:s18+$0xFFFFFF80]  }
0x27b: {  	v7 =	vld.idx.msk [tilespmem:v8+s24+$0x0], $0xffff  }
0x27c: {  	v10 =	vshll.u32 v10, $0x6;
	v8 =	vld.idx.msk [tilespmem:v14+s24+$0x0], $0xffff;
	v15 =	vor.u32 v0, v11  }
0x27d: {  	v17 =	vor.u32 v0, v10;
	v18 =	vld.idx.msk [tilespmem:v16+s29+$0x0], $0xffff  }
0x27e: {  	v13 =	vld.idx.msk [tilespmem:v13+s29+$0x0], $0xffff  }
0x27f: {  	v16 =	vld [tilespmem:s18+$0x0]  }
0x280: {  	v14 =	vld [tilespmem:s18+$0xFFFFFF00]  }
0x281: {  	v15 =	vld.idx.msk [tilespmem:v15+s29+$0x0], $0xffff  }
0x282: {  	v17 =	vld.idx.msk [tilespmem:v17+s29+$0x0], $0xffff  }
0x283: {  	v23 =	vld [tilespmem:s18+$0x80]  }
0x284: {  	v13 =	vadd.f32 v16, v13  }
0x285: {  	v20 =	vld [tilespmem:s18+$0xFFFFFF10]  }
0x286: {  	v21 =	vld [tilespmem:s18+$0xFFFFFF90];
	v24 =	vor.u32 v2, v12;
	v14 =	vadd.f32 v14, v15;
	v13 =	vmul.f32 v13, v8  }
0x287: {  	v19 =	vld [tilespmem:s18+$0x90];
	v25 =	vor.u32 v2, v11;
	v17 =	vadd.f32 v22, v17  }
0x288: {  	v16 =	vld [tilespmem:s18+$0xFFFFFF20];
	v22 =	vor.u32 v2, v10;
	v14 =	vmul.f32 v14, v6;
	[tilespmem:s18+$0x0] =	vst v13;
	v13 =	vadd.f32 v23, v18  }
0x289: {  	s19 =	simm.s32 $0x4;
	v15 =	vld [tilespmem:s18+$0xFFFFFFA0];
	v17 =	vmul.f32 v17, v7;
	v18 =	vor.u32 v2, v9  }
0x28a: {  	[tilespmem:s18+$0xFFFFFF00] =	vst v14;
	v14 =	vld [tilespmem:s18+$0x10];
	v23 =	vmov s19;
	v13 =	vmul.f32 v13, v5  }
0x28b: {  	s21 =	simm.s32 $0x7;
	[tilespmem:s18+$0xFFFFFF80] =	vst v17;
	v29 =	vld.idx.msk [tilespmem:v24+s29+$0x0], $0xffff;
	v17 =	vadd.s32 $0x4B0, v23  }
0x28c: {  	v26 =	vld.idx.msk [tilespmem:v25+s29+$0x0], $0xffff;
	v23 =	vmov s21;
	[tilespmem:s18+$0x80] =	vst v13;
	v13 =	vand.u32 $0xFFFFFFFC, v17  }
0x28d: {  	s23 =	simm.s32 $0x5;
	v28 =	vld.idx.msk [tilespmem:v22+s29+$0x0], $0xffff;
	v17 =	vadd.s32 $0x4B0, v23;
	v23 =	vbroadcast v13, $0x0  }
0x28e: {  	v22 =	vmov s23;
	v27 =	vld.idx.msk [tilespmem:v18+s29+$0x0], $0xffff;
	v24 =	vbroadcast v17, $0x0  }
0x28f: {  	v13 =	vadd.s32 $0x4B0, v22;
	v17 =	vld [tilespmem:s18+$0xA0]  }
0x290: {  	v30 =	vor.u32 v3, v12;
	v18 =	vand.u32 $0xFFFFFFFD, v13;
	v13 =	vld [tilespmem:s18+$0xFFFFFF30];
	v31 =	vadd.f32 v14, v29  }
0x291: {  	s19 =	simm.s32 $0xDFC0;
	s23 =	simm.s32 $0x6;
	s21 =	simm.s32 $0x8;
	v25 =	vor.u32 v3, v9;
	v29 =	vor.u32 v3, v11;
	v14 =	vld [tilespmem:s18+$0xFFFFFFB0];
	v22 =	vbroadcast v18, $0x0  }
.LBB2_18:
0x292: {  	p0 =	slt.u32 s21, $0x18C;
	v18 =	vmov s23;
	v20 =	vadd.f32 v20, v26;
	v26 =	vmul.f32 v31, v8;
	v31 =	vld [tilespmem:s18+$0xB0]  }
0x293: {  	v21 =	vadd.f32 v21, v28;
	v28 =	vor.u32 v3, v10;
	v32 =	vld.idx.msk [tilespmem:v23+s26+$0x0], $0xffff;
	v18 =	vadd.s32 $0x4B0, v18  }
0x294: {  	v19 =	vadd.f32 v19, v27;
	v18 =	vand.u32 $0xFFFFFFFE, v18;
	v33 =	vld.idx.msk [tilespmem:v24+s26+$0x0], $0xffff;
	v20 =	vmul.f32 v20, v6;
	[tilespmem:s18+$0x10] =	vst v26  }
0x295: {  	v21 =	vmul.f32 v21, v7;
	v18 =	vbroadcast v18, $0x0;
	v26 =	vld.idx.msk [tilespmem:v30+s29+$0x0], $0xffff  }
0x296: {  	v19 =	vmul.f32 v19, v5;
	[tilespmem:s18+$0xFFFFFF10] =	vst v20;
	v20 =	vld [tilespmem:s18+$0x20]  }
0x297: {  	v27 =	vld.idx.msk [tilespmem:v29+s29+$0x0], $0xffff;
	[tilespmem:s18+$0xFFFFFF90] =	vst v21  }
0x298: {  	v21 =	vld.idx.msk [tilespmem:v28+s29+$0x0], $0xffff;
	[tilespmem:s18+$0x90] =	vst v19  }
0x299: {  	v19 =	vshll.u32 v32, $0x6;
	v25 =	vld.idx.msk [tilespmem:v25+s29+$0x0], $0xffff  }
0x29a: {  	v28 =	vor.u32 v0, v19;
	v29 =	vld.idx.msk [tilespmem:v22+s26+$0x0], $0xffff  }
0x29b: {  	v12 =	vor.u32 v4, v12;
	v30 =	vld.idx.msk [tilespmem:v18+s26+$0x0], $0xffff;
	v20 =	vadd.f32 v20, v26  }
0x29c: {  	v23 =	vld.idx.msk [tilespmem:v23+s24+$0x0], $0xffff  }
0x29d: {  	v26 =	vor.u32 v4, v11;
	v16 =	vadd.f32 v16, v27;
	v24 =	vld.idx.msk [tilespmem:v24+s24+$0x0], $0xffff;
	v32 =	vmul.f32 v20, v8  }
0x29e: {  	v15 =	vadd.f32 v15, v21;
	v21 =	vor.u32 v4, v10;
	v20 =	vld.idx.msk [tilespmem:v22+s24+$0x0], $0xffff;
	v22 =	vor.u32 v4, v9  }
0x29f: {  	v9 =	vshll.u32 v33, $0x6;
	v16 =	vmul.f32 v16, v6;
	v17 =	vadd.f32 v17, v25;
	v27 =	vld.idx.msk [tilespmem:v28+s29+$0x0], $0xffff;
	[tilespmem:s18+$0x20] =	vst v32  }
0x2a0: {  	v11 =	vmovc v19;
	v10 =	vshll.u32 v29, $0x6;
	v25 =	vor.u32 v0, v9;
	v15 =	vmul.f32 v15, v7;
	v28 =	vld.idx.msk [tilespmem:v12+s29+$0x0], $0xffff  }
0x2a1: {  	v19 =	vor.u32 v0, v10;
	v12 =	vshll.u32 v30, $0x6;
	v17 =	vmul.f32 v17, v5;
	[tilespmem:s18+$0xFFFFFF20] =	vst v16;
	v16 =	vld [tilespmem:s18+$0x30]  }
0x2a2: {  	v29 =	vor.u32 v0, v12;
	v26 =	vld.idx.msk [tilespmem:v26+s29+$0x0], $0xffff;
	[tilespmem:s18+$0xFFFFFFA0] =	vst v15  }
0x2a3: {  	v15 =	vld.idx.msk [tilespmem:v21+s29+$0x0], $0xffff;
	[tilespmem:s18+$0xA0] =	vst v17  }
0x2a4: {  	v17 =	vld.idx.msk [tilespmem:v22+s29+$0x0], $0xffff  }
0x2a5: {  	v22 =	vld.idx.msk [tilespmem:v25+s29+$0x0], $0xffff  }
0x2a6: {  	v25 =	vld.idx.msk [tilespmem:v19+s29+$0x0], $0xffff;
	v16 =	vadd.f32 v16, v28  }
0x2a7: {  	s18 =	sadd.s32 $0x200, s18;
	v19 =	vld.idx.msk [tilespmem:v29+s29+$0x0], $0xffff  }
0x2a8: {  	v13 =	vadd.f32 v13, v26;
	v21 =	vld [tilespmem:s18+$0x0];
	v16 =	vmul.f32 v16, v8  }
0x2a9: {  	v14 =	vadd.f32 v14, v15;
	v8 =	vld.idx.msk [tilespmem:v18+s24+$0x0], $0xffff  }
0x2aa: {  	v13 =	vmul.f32 v13, v6;
	v6 =	vmov v23;
	v15 =	vld [tilespmem:s18+$0xFFFFFF00];
	[tilespmem:s19+$0x30] =	vst v16;
	v16 =	vadd.f32 v31, v17  }
0x2ab: {  	v14 =	vmul.f32 v14, v7;
	v7 =	vmov v20;
	v17 =	vld [tilespmem:s18+$0xFFFFFF80]  }
0x2ac: {  	v18 =	vld [tilespmem:s18+$0x80];
	[tilespmem:s19+$0xFFFFFF30] =	vst v13;
	v13 =	vmul.f32 v16, v5;
	v5 =	vmov v24  }
0x2ad: {  	v23 =	vor.u32 v2, v12;
	v20 =	vld [tilespmem:s18+$0xFFFFFF10];
	v16 =	vadd.f32 v21, v19;
	[tilespmem:s19+$0xFFFFFFB0] =	vst v14  }
0x2ae: {  	v21 =	vld [tilespmem:s18+$0xFFFFFF90];
	[tilespmem:s19+$0xB0] =	vst v13;
	s19 =	smov.u32 s18  }
0x2af: {  	v14 =	vor.u32 v2, v11;
	v13 =	vadd.f32 v15, v27;
	v24 =	vmul.f32 v16, v8;
	v19 =	vld [tilespmem:s18+$0x90]  }
0x2b0: {  	v16 =	vld [tilespmem:s18+$0xFFFFFF20];
	v17 =	vadd.f32 v17, v25;
	v25 =	vor.u32 v2, v10  }
0x2b1: {  	v13 =	vmul.f32 v13, v6;
	v15 =	vld [tilespmem:s18+$0xFFFFFFA0];
	[tilespmem:s18+$0x0] =	vst v24;
	v18 =	vadd.f32 v18, v22;
	v22 =	vor.u32 v2, v9  }
0x2b2: {  	v24 =	vmov s21;
	v17 =	vmul.f32 v17, v7;
	v29 =	vld.idx.msk [tilespmem:v23+s29+$0x0], $0xffff  }
0x2b3: {  	s0 =	sadd.s32 $0x3, s21;
	v23 =	vadd.s32 $0x4B0, v24;
	[tilespmem:s18+$0xFFFFFF00] =	vst v13;
	v30 =	vld [tilespmem:s18+$0x10];
	v13 =	vmul.f32 v18, v5  }
0x2b4: {  	v24 =	vmov s0;
	v18 =	vand.u32 $0xFFFFFFFC, v23;
	v26 =	vld.idx.msk [tilespmem:v14+s29+$0x0], $0xffff;
	[tilespmem:s18+$0xFFFFFF80] =	vst v17  }
.Ltmp8:
0x2b5: {  	s0 =	sadd.s32 $0x1, s21;
	v23 =	vbroadcast v18, $0x0;
	v14 =	vadd.s32 $0x4B0, v24;
	v28 =	vld.idx.msk [tilespmem:v25+s29+$0x0], $0xffff;
	[tilespmem:s18+$0x80] =	vst v13;
	(pc) =	sbr.rel @p0 .LBB2_18-.Ltmp8, $4  }
0x2b6: {  	v13 =	vmov s0;
	v24 =	vbroadcast v14, $0x0;
	v27 =	vld.idx.msk [tilespmem:v22+s29+$0x0], $0xffff  }
0x2b7: {  	v13 =	vadd.s32 $0x4B0, v13;
	v17 =	vld [tilespmem:s18+$0xA0]  }
0x2b8: {  	v14 =	vand.u32 $0xFFFFFFFD, v13;
	v13 =	vld [tilespmem:s18+$0xFFFFFF30];
	v31 =	vadd.f32 v30, v29;
	v30 =	vor.u32 v3, v12  }
0x2b9: {  	s23 =	sadd.s32 $0x2, s21;
	s21 =	sadd.s32 $0x4, s21;
	v25 =	vor.u32 v3, v9;
	v22 =	vbroadcast v14, $0x0;
	v29 =	vor.u32 v3, v11;
	v14 =	vld [tilespmem:s18+$0xFFFFFFB0]  }
0x2ba: {  	_ =	sdelay $0x1  }
0x2bb: {  	v18 =	vmov s23  }
0x2bc: {  	v18 =	vadd.s32 $0x4B0, v18  }
0x2bd: {  	v33 =	vld.idx.msk [tilespmem:v23+s26+$0x0], $0xffff;
	v18 =	vand.u32 $0xFFFFFFFE, v18  }
0x2be: {  	v34 =	vld.idx.msk [tilespmem:v24+s26+$0x0], $0xffff;
	v32 =	vbroadcast v18, $0x0  }
0x2bf: {  	v42 =	vld [tilespmem:s18+$0x20]  }
0x2c0: {  	v23 =	vld.idx.msk [tilespmem:v23+s24+$0x0], $0xffff  }
0x2c1: {  	v24 =	vld.idx.msk [tilespmem:v24+s24+$0x0], $0xffff  }
0x2c2: {  	v60 =	vld [tilespmem:s18+$0x30]  }
0x2c3: {  	v43 =	vld.idx.msk [tilespmem:v22+s26+$0x0], $0xffff  }
0x2c4: {  	v20 =	vadd.f32 v20, v26;
	s21 =	sadd.s32 $0x200, s18;
	v39 =	vld.idx.msk [tilespmem:v32+s26+$0x0], $0xffff  }
0x2c5: {  	v36 =	vld [tilespmem:s21+$0x0]  }
0x2c6: {  	v47 =	vld [tilespmem:s21+$0xFFFFFF00];
	v20 =	vmul.f32 v20, v6  }
0x2c7: {  	v37 =	vld [tilespmem:s21+$0xFFFFFF80]  }
0x2c8: {  	v38 =	vld [tilespmem:s21+$0x80];
	[tilespmem:s18+$0xFFFFFF10] =	vst v20;
	v20 =	vshll.u32 v33, $0x6  }
0x2c9: {  	v31 =	vmul.f32 v31, v8;
	v22 =	vld.idx.msk [tilespmem:v22+s24+$0x0], $0xffff;
	v44 =	vor.u32 v0, v20;
	v26 =	vshll.u32 v39, $0x6  }
0x2ca: {  	v21 =	vadd.f32 v21, v28;
	v49 =	vld [tilespmem:s21+$0xFFFFFF10];
	v33 =	vshll.u32 v34, $0x6;
	v45 =	vor.u32 v0, v26  }
0x2cb: {  	v19 =	vadd.f32 v19, v27;
	v54 =	vld [tilespmem:s21+$0x10];
	[tilespmem:s18+$0x10] =	vst v31;
	v34 =	vor.u32 v0, v33;
	v31 =	vshll.u32 v43, $0x6  }
0x2cc: {  	v55 =	vld [tilespmem:s21+$0x90];
	v21 =	vmul.f32 v21, v7;
	v35 =	vor.u32 v0, v31  }
0x2cd: {  	v19 =	vmul.f32 v19, v5;
	v32 =	vld.idx.msk [tilespmem:v32+s24+$0x0], $0xffff  }
0x2ce: {  	[tilespmem:s18+$0xFFFFFF90] =	vst v21;
	v21 =	vld.idx.msk [tilespmem:v44+s29+$0x0], $0xffff  }
0x2cf: {  	[tilespmem:s18+$0x90] =	vst v19;
	v19 =	vld.idx.msk [tilespmem:v45+s29+$0x0], $0xffff  }
0x2d0: {  	v34 =	vld.idx.msk [tilespmem:v34+s29+$0x0], $0xffff  }
0x2d1: {  	v46 =	vld.idx.msk [tilespmem:v35+s29+$0x0], $0xffff  }
0x2d2: {  	v61 =	vld [tilespmem:s21+$0xFFFFFF20]  }
0x2d3: {  	v63 =	vld [tilespmem:s21+$0xFFFFFFA0];
	v50 =	vor.u32 v2, v20;
	v21 =	vadd.f32 v47, v21  }
0x2d4: {  	v41 =	vld.idx.msk [tilespmem:v30+s29+$0x0], $0xffff;
	v48 =	vor.u32 v2, v26;
	v19 =	vadd.f32 v36, v19  }
0x2d5: {  	v29 =	vld.idx.msk [tilespmem:v29+s29+$0x0], $0xffff;
	v53 =	vor.u32 v2, v33;
	v34 =	vadd.f32 v38, v34;
	v21 =	vmul.f32 v21, v23  }
0x2d6: {  	v18 =	vld [tilespmem:s18+$0xB0];
	v52 =	vor.u32 v2, v31;
	v51 =	vadd.f32 v37, v46;
	v19 =	vmul.f32 v19, v32  }
0x2d7: {  	v40 =	vor.u32 v3, v10;
	v39 =	vld [tilespmem:s21+$0xFFFFFF90];
	v56 =	vmul.f32 v34, v24;
	[tilespmem:s21+$0xFFFFFF00] =	vst v21  }
0x2d8: {  	v57 =	vld.idx.msk [tilespmem:v50+s29+$0x0], $0xffff;
	[tilespmem:s21+$0x0] =	vst v19;
	v19 =	vmul.f32 v51, v22  }
0x2d9: {  	v12 =	vor.u32 v4, v12;
	[tilespmem:s21+$0x80] =	vst v56;
	v36 =	vld.idx.msk [tilespmem:v48+s29+$0x0], $0xffff  }
0x2da: {  	v27 =	vadd.f32 v42, v41;
	v16 =	vadd.f32 v16, v29;
	v29 =	vld.idx.msk [tilespmem:v53+s29+$0x0], $0xffff;
	[tilespmem:s21+$0xFFFFFF80] =	vst v19  }
0x2db: {  	v11 =	vor.u32 v4, v11;
	v30 =	vld.idx.msk [tilespmem:v52+s29+$0x0], $0xffff  }
0x2dc: {  	v9 =	vor.u32 v4, v9;
	v28 =	vld.idx.msk [tilespmem:v40+s29+$0x0], $0xffff;
	v27 =	vmul.f32 v27, v8  }
0x2dd: {  	v25 =	vld.idx.msk [tilespmem:v25+s29+$0x0], $0xffff;
	v62 =	vor.u32 v3, v20;
	v16 =	vmul.f32 v16, v6;
	v19 =	vadd.f32 v49, v57  }
0x2de: {  	v41 =	vor.u32 v3, v33;
	v44 =	vld [tilespmem:s21+$0x20];
	[tilespmem:s18+$0x20] =	vst v27;
	v59 =	vor.u32 v3, v26;
	v58 =	vadd.f32 v54, v36  }
0x2df: {  	v12 =	vld.idx.msk [tilespmem:v12+s29+$0x0], $0xffff;
	[tilespmem:s18+$0xFFFFFF20] =	vst v16;
	v21 =	vadd.f32 v55, v29;
	v19 =	vmul.f32 v19, v23  }
0x2e0: {  	v40 =	vor.u32 v3, v31;
	v11 =	vld.idx.msk [tilespmem:v11+s29+$0x0], $0xffff;
	v34 =	vmul.f32 v58, v32;
	v30 =	vadd.f32 v39, v30  }
0x2e1: {  	v42 =	vor.u32 v4, v10;
	v15 =	vadd.f32 v15, v28;
	v45 =	vld [tilespmem:s21+$0xA0];
	v21 =	vmul.f32 v21, v24;
	[tilespmem:s21+$0xFFFFFF10] =	vst v19  }
0x2e2: {  	v17 =	vadd.f32 v17, v25;
	v46 =	vld.idx.msk [tilespmem:v62+s29+$0x0], $0xffff;
	[tilespmem:s21+$0x10] =	vst v34;
	v43 =	vmul.f32 v30, v22  }
0x2e3: {  	v15 =	vmul.f32 v15, v7;
	[tilespmem:s21+$0x90] =	vst v21;
	v35 =	vld.idx.msk [tilespmem:v59+s29+$0x0], $0xffff  }
0x2e4: {  	v17 =	vmul.f32 v17, v5;
	v48 =	vld.idx.msk [tilespmem:v41+s29+$0x0], $0xffff;
	[tilespmem:s21+$0xFFFFFF90] =	vst v43  }
0x2e5: {  	[tilespmem:s18+$0xFFFFFFA0] =	vst v15;
	v47 =	vld.idx.msk [tilespmem:v40+s29+$0x0], $0xffff  }
0x2e6: {  	v10 =	vld.idx.msk [tilespmem:v42+s29+$0x0], $0xffff;
	[tilespmem:s18+$0xA0] =	vst v17  }
0x2e7: {  	v20 =	vor.u32 v4, v20;
	v9 =	vld.idx.msk [tilespmem:v9+s29+$0x0], $0xffff;
	v25 =	vadd.f32 v61, v46  }
0x2e8: {  	v26 =	vor.u32 v4, v26;
	v50 =	vld [tilespmem:s21+$0xFFFFFF30];
	v49 =	vadd.f32 v44, v35  }
0x2e9: {  	v53 =	vld [tilespmem:s21+$0xB0];
	v54 =	vor.u32 v4, v33;
	v15 =	vadd.f32 v45, v48;
	v25 =	vmul.f32 v25, v23  }
0x2ea: {  	v51 =	vld [tilespmem:s21+$0xFFFFFFB0];
	v52 =	vor.u32 v4, v31;
	v17 =	vmul.f32 v49, v32;
	v21 =	vadd.f32 v63, v47  }
0x2eb: {  	v57 =	vld [tilespmem:s21+$0x30];
	v15 =	vmul.f32 v15, v24;
	[tilespmem:s21+$0xFFFFFF20] =	vst v25  }
0x2ec: {  	v58 =	vld.idx.msk [tilespmem:v20+s29+$0x0], $0xffff;
	[tilespmem:s21+$0x20] =	vst v17;
	v55 =	vmul.f32 v21, v22  }
0x2ed: {  	v11 =	vadd.f32 v13, v11;
	[tilespmem:s21+$0xA0] =	vst v15;
	v56 =	vld.idx.msk [tilespmem:v26+s29+$0x0], $0xffff  }
0x2ee: {  	v12 =	vadd.f32 v60, v12;
	v61 =	vld.idx.msk [tilespmem:v54+s29+$0x0], $0xffff;
	[tilespmem:s21+$0xFFFFFFA0] =	vst v55  }
0x2ef: {  	v9 =	vadd.f32 v18, v9;
	v6 =	vmul.f32 v11, v6;
	v59 =	vld.idx.msk [tilespmem:v52+s29+$0x0], $0xffff  }
0x2f0: {  	v60 =	vmul.f32 v12, v8;
	v10 =	vadd.f32 v14, v10  }
0x2f1: {  	v5 =	vmul.f32 v9, v5;
	[tilespmem:s19+$0xFFFFFF30] =	vst v6;
	v6 =	vadd.f32 v50, v58  }
0x2f2: {  	[tilespmem:s19+$0x30] =	vst v60;
	v7 =	vmul.f32 v10, v7;
	v62 =	vadd.f32 v57, v56  }
0x2f3: {  	[tilespmem:s19+$0xB0] =	vst v5;
	v5 =	vmul.f32 v6, v23;
	v6 =	vadd.f32 v53, v61  }
0x2f4: {  	[tilespmem:s19+$0xFFFFFFB0] =	vst v7;
	v7 =	vmul.f32 v62, v32;
	v63 =	vadd.f32 v51, v59  }
0x2f5: {  	[tilespmem:s21+$0xFFFFFF30] =	vst v5;
	v5 =	vmul.f32 v6, v24  }
0x2f6: {  	[tilespmem:s21+$0x30] =	vst v7;
	v7 =	vmul.f32 v63, v22  }
0x2f7: {  	s23 =	sadd.s32 $0x0, s11;
	[tilespmem:s21+$0xB0] =	vst v5  }
0x2f8: {  	s18 =	simm.s32 $0xDEC0;
	s19 =	simm.s32 $0x8;
	[tilespmem:s21+$0xFFFFFFB0] =	vst v7;
	s21 =	simm.s32 $0xDF40  }
.LBB2_20:
0x2f9: {  	[hbm4b:s23+s3] =	stream.linear.scatter [tilespmem:s18], [sflag:$0x2], $0x40, $0x38;
	[tilespmem:$0x1CEC0] =	vst v63  }
0x2fa: {  	s0 =	smov.u32 s19;
	s18 =	smov.u32 s21;
	p0 =	sne.s32 s19, $0xC78  }
.Ltmp9:
0x2fb: {  	s19 =	sadd.s32 $0x8, s19;
	(pc) =	sbr.rel @p0 .LBB2_20-.Ltmp9, $2  }
0x2fc: {  	_ =	sdelay $0x2  }
0x2fd: {  	s21 =	sadd.s32 $0x80, s21;
	s23 =	sadd.s32 s0, s11  }
0x2fe: {  	[hbm4b:s23+s3] =	stream.linear.scatter [tilespmem:s18], [sflag:$0x2], $0x40, $0x38;
	[tilespmem:$0x1CEC0] =	vst v63  }
0x2ff: {  	s1 =	sadd.s32 $0x1, s1;
	_ =	swait.ge [sflag:s16], $0x6400  }
0x300: {  	p0 =	sne.s32 s1, s13;
	[sflag:s16] =	ssyncset.done $0x0  }
.Ltmp10:
0x301: {  	[sflag:s16] =	ssyncadd.s32 $0xFFFF9C00;
	(pc) =	sbr.rel @p0 .LBB2_1-.Ltmp10, $4  }
0x302: {  	[hbm4b:s12+s3] =	stream.linear.scatter [tilespmem:s24], [sflag:$0x2], $0x640, $0x38;
	[tilespmem:$0x1CEC0] =	vst v63  }
0x303: {  	_ =	swait.ge [sflag:s16], $0x640  }
0x304: {  	[sflag:s16] =	ssyncset.done $0x0  }
0x305: {  	[sflag:s16] =	ssyncadd.s32 $0xFFFFF9C0  }
0x306: {  	_ =	sfence.sel $0x180000  }
0x307: {  	[bflag:$0x0] =	sbarrier.arrive $0xFFFF  }
0x308: {  	_ =	strace $0x90000047  }
0x309: {  	s0 =	stileid.u32;
	[bflag:$0x2] =	sbarrier.arrive $0xFFFF  }
0x30a: {  	p0 =	sne.s32 s0, $0x0;
	s0 =	rddreg [dreg:$0x4]  }
0x30b: {  	s0 =	sadd.s32 @!p0 $0x100000, s0  }
0x30c: {  	[sflag:s0] =	ssyncadd.tile.s32 @!p0 $0x1;
	_ =	shalt  }
.Lfunc_end2:
_tile_overlayer_lowered:
.L_overlay_start_2:
0x30d: {  	(tag) =	ssettag $0x2  }
0x30e: {  	s0 =	rddreg [dreg:$0x0];
	s2 =	stileid.u32  }
0x30f: {  	s1 =	rddreg [dreg:$0x1];
	p0 =	sne.s32 s2, $0x0  }
0x310: {  	s3 =	rddreg [dreg:$0x2];
	[bflag:$0x3] =	sbarrier.arrive $0xFFFF;
	s2 =	simm.s32 @!p0 $0x1C02  }
0x311: {  	[timem:s3], [sflag:s2] =	dma.local @!p0 [hbm:s0], s1  }
0x312: {  	s0 =	simm.s32 @!p0 $0x2  }
0x313: {  	_ =	swait.ge @!p0 [sflag:s0], s1  }
0x314: {  	s1 =	ssub.s32 @!p0 $0x0, s1;
	[sflag:s0] =	ssyncset.done @!p0 $0x0  }
0x315: {  	[sflag:s0] =	ssyncadd.s32 @!p0 s1  }
0x316: {  	[bflag:$0x3] =	sbarrier.arrive $0xFFFF  }
0x317: {  	_ =	shalt  }

</sc_bundles>
